<compile_context>
chip_gen: v7x
topology: tpu7x:2x2x1
jax: 0.10.2.dev20260603
libtpu: 0.0.44.dev20260713+nightly
codegen_flags: <defaults>
</compile_context>

<pallas_src>
import functools

import jax
import jax.numpy as jnp
from jax import lax
from jax.experimental import pallas as pl
from jax.experimental.pallas import tpu as pltpu
from jax.experimental.pallas import tpu_sc as plsc

_B, _S, _D = 1024, 200, 128
_NC, _NS, _L = 2, 16, 16
_NW = _NC * _NS
_BPW = _B // _NW
_VPR = _D // _L

_RING = 4
_ROWS = 200
_CPB = _S // _ROWS
_CPW = _BPW * _CPB
_PF = 2


def _body(x_hbm, tab_hbm, out_hbm, tab_v, *scratch):
    bufs = scratch[:_RING]
    insems = scratch[_RING:2 * _RING]
    outsems = scratch[2 * _RING:]
    wid = lax.axis_index("s") * _NC + lax.axis_index("c")
    base = wid * _BPW

    pltpu.sync_copy(tab_hbm, tab_v)

    def src(c):
        return (base + c // _CPB, pl.ds((c % _CPB) * _ROWS, _ROWS))

    def compute(buf, c):
        half = (c % _CPB) * _ROWS

        def row(i, carry):
            for j in range(_VPR):
                sl = pl.ds(j * _L, _L)
                plsc.addupdate(buf.at[i, sl], tab_v[half + i, sl])
            return carry

        lax.fori_loop(0, _ROWS, row, 0, unroll=2)

    for p in range(_RING):
        b, r = src(p)
        pltpu.async_copy(x_hbm.at[b, r], bufs[p], insems[p])

    def outer(gr, carry):
        for p in range(_RING):
            g = gr * _RING + p
            b, r = src(g)
            pltpu.make_async_copy(x_hbm.at[b, r], bufs[p], insems[p]).wait()
            compute(bufs[p], g)
            pltpu.async_copy(bufs[p], out_hbm.at[b, r], outsems[p])
            h = g + _PF
            q = (p + _PF) % _RING

            @pl.when(jnp.logical_and(h >= _RING, h < _CPW))
            def _():
                hb, hr = src(h - _RING)
                pltpu.make_async_copy(
                    bufs[q], out_hbm.at[hb, hr], outsems[q]
                ).wait()
                nb, nr = src(h)
                pltpu.async_copy(x_hbm.at[nb, nr], bufs[q], insems[q])

        return carry

    lax.fori_loop(0, _CPW // _RING, outer, 0)

    for p in range(_RING):
        g = _CPW - _RING + p
        b, r = src(g)
        pltpu.make_async_copy(bufs[g % _RING], out_hbm.at[b, r],
                              outsems[g % _RING]).wait()


_sc_add = functools.partial(
    pl.kernel,
    out_type=jax.ShapeDtypeStruct((_B, _S, _D), jnp.float32),
    mesh=plsc.VectorSubcoreMesh(core_axis_name="c", subcore_axis_name="s"),
    scratch_types=(
        [pltpu.VMEM((_S, _D), jnp.float32)]
        + [pltpu.VMEM((_ROWS, _D), jnp.float32)] * _RING
        + [pltpu.SemaphoreType.DMA] * (2 * _RING)
    ),
)(_body)


@jax.jit
def kernel(x, pos_emb_weight):
    return _sc_add(x, pos_emb_weight)

# --- scband reference (transcript-rebuilt; emitter-appended) ---
"""Pipeline reference for scband-token-position-embedding-17892833755340 (READ-ONLY COPY).

The authoritative reference and input builder live on the scoring server;
editing this copy changes nothing except your own understanding.
"""

import jax, jax.numpy as jnp
import numpy as np

MAXLEN = 200
POS_EMBED_DIM = 128
BATCH = 1024
SEQ_LEN = 200


def _build_sinusoidal_table():
    D = POS_EMBED_DIM
    position_enc = np.array([
        [pos / np.power(10000, 2 * (i // 2) / D) for i in range(D)] if pos != 0 else np.zeros(D)
        for pos in range(MAXLEN)
    ])
    position_enc[1:, 0::2] = np.sin(position_enc[1:, 0::2])
    position_enc[1:, 1::2] = np.cos(position_enc[1:, 1::2])
    return jnp.asarray(position_enc, dtype=jnp.float32)


def setup_inputs(seed: int = 0) -> dict:
    key = jax.random.key(seed)
    x = jax.random.normal(key, (BATCH, SEQ_LEN, POS_EMBED_DIM), dtype=jnp.float32)
    pos_emb_weight = _build_sinusoidal_table()
    return {"x": x, "pos_emb_weight": pos_emb_weight}


def reference(x, pos_emb_weight):
    batch_size, seq_len, input_dim = x.shape
    positions = jnp.arange(0, seq_len)  # [S]
    # torch repeats positions to [B, S] then embeds -> [B, S, D]; broadcast is equivalent
    position_emb = jnp.take(pos_emb_weight, positions, axis=0)  # [S, D]
    x1 = x + position_emb[None, :, :]
    return x1

if __name__ == "__main__":
    import jax
    _d = setup_inputs()
    print(jax.jit(kernel)(*tuple(_d.values())))

</pallas_src>

<mosaic_0001>
#map = affine_map<(d0, d1) -> (0, 0, 0)>
#map1 = affine_map<(d0, d1) -> (0, 0)>
module attributes {stable_mosaic.version = 14 : i64} {
  func.func @_body(%arg0: i32, %arg1: i32, %arg2: memref<1024x200x128xf32, #tpu.memory_space<hbm>>, %arg3: memref<200x128xf32, #tpu.memory_space<hbm>>, %arg4: memref<1024x200x128xf32, #tpu.memory_space<hbm>>, %arg5: memref<200x128xf32, #tpu.memory_space<vmem>>, %arg6: memref<200x128xf32, #tpu.memory_space<vmem>>, %arg7: memref<200x128xf32, #tpu.memory_space<vmem>>, %arg8: memref<200x128xf32, #tpu.memory_space<vmem>>, %arg9: memref<200x128xf32, #tpu.memory_space<vmem>>, %arg10: memref<!tpu.dma_semaphore, #tpu.memory_space<semaphore_mem>>, %arg11: memref<!tpu.dma_semaphore, #tpu.memory_space<semaphore_mem>>, %arg12: memref<!tpu.dma_semaphore, #tpu.memory_space<semaphore_mem>>, %arg13: memref<!tpu.dma_semaphore, #tpu.memory_space<semaphore_mem>>, %arg14: memref<!tpu.dma_semaphore, #tpu.memory_space<semaphore_mem>>, %arg15: memref<!tpu.dma_semaphore, #tpu.memory_space<semaphore_mem>>, %arg16: memref<!tpu.dma_semaphore, #tpu.memory_space<semaphore_mem>>, %arg17: memref<!tpu.dma_semaphore, #tpu.memory_space<semaphore_mem>>) attributes {dimension_semantics = [#tpu.dimension_semantics<core_parallel>, #tpu.dimension_semantics<subcore_parallel>], iteration_bounds = array<i64: 2, 16>, scalar_prefetch = 0 : i64, scratch_operands = 13 : i64, tpu.core_type = #tpu.core_type<sc_vector_subcore>, window_params = [{transform_indices = #map}, {transform_indices = #map1}, {transform_indices = #map}]} {
    %mul3A = arith.constant 2 : i32
    %mul3A_0 = arith.muli %arg1, %mul3A : i32
    %add3A = arith.addi %mul3A_0, %arg0 : i32
    %mul3A_1 = arith.constant 32 : i32
    %mul3A_2 = arith.muli %add3A, %mul3A_1 : i32
    "tpu.region"() ({
      %run_scoped3A = tpu.sem_alloc : memref<!tpu.dma_semaphore, #tpu.memory_space<semaphore_mem>>
      tpu.enqueue_dma source(%arg3 : memref<200x128xf32, #tpu.memory_space<hbm>>) target(%arg5 : memref<200x128xf32, #tpu.memory_space<vmem>>) target_semaphore(%run_scoped3A : memref<!tpu.dma_semaphore, #tpu.memory_space<semaphore_mem>>)
      tpu.wait_dma2 semaphore(%run_scoped3A : memref<!tpu.dma_semaphore, #tpu.memory_space<semaphore_mem>>) src(%arg3 : memref<200x128xf32, #tpu.memory_space<hbm>>) dst(%arg5 : memref<200x128xf32, #tpu.memory_space<vmem>>)
      tpu.yield
    }) : () -> ()
    %add3A_3 = arith.constant 0 : i32
    %add3A_4 = arith.addi %mul3A_2, %add3A_3 : i32
    %dma_start3A = arith.constant 0 : i32
    %dma_start3A_5 = arith.constant 0 : i32
    %dma_start3A_6 = tpu.memref_slice %arg2[%add3A_4, %dma_start3A, %dma_start3A_5] : memref<1024x200x128xf32, #tpu.memory_space<hbm>> -> memref<1x200x128xf32, #tpu.memory_space<hbm>>
    %dma_start3A_7 = tpu.memref_squeeze %dma_start3A_6 : memref<1x200x128xf32, #tpu.memory_space<hbm>> -> memref<200x128xf32, #tpu.memory_space<hbm>>
    %dma_start3A_8 = arith.constant 0 : i32
    %dma_start3A_9 = arith.constant 0 : i32
    %dma_start3A_10 = tpu.memref_slice %arg2[%add3A_4, %dma_start3A_8, %dma_start3A_9] : memref<1024x200x128xf32, #tpu.memory_space<hbm>> -> memref<1x200x128xf32, #tpu.memory_space<hbm>>
    %dma_start3A_11 = tpu.memref_squeeze %dma_start3A_10 : memref<1x200x128xf32, #tpu.memory_space<hbm>> -> memref<200x128xf32, #tpu.memory_space<hbm>>
    tpu.enqueue_dma source(%dma_start3A_11 : memref<200x128xf32, #tpu.memory_space<hbm>>) target(%arg6 : memref<200x128xf32, #tpu.memory_space<vmem>>) target_semaphore(%arg10 : memref<!tpu.dma_semaphore, #tpu.memory_space<semaphore_mem>>)
    %add3A_12 = arith.constant 1 : i32
    %add3A_13 = arith.addi %mul3A_2, %add3A_12 : i32
    %dma_start3A_14 = arith.constant 0 : i32
    %dma_start3A_15 = arith.constant 0 : i32
    %dma_start3A_16 = tpu.memref_slice %arg2[%add3A_13, %dma_start3A_14, %dma_start3A_15] : memref<1024x200x128xf32, #tpu.memory_space<hbm>> -> memref<1x200x128xf32, #tpu.memory_space<hbm>>
    %dma_start3A_17 = tpu.memref_squeeze %dma_start3A_16 : memref<1x200x128xf32, #tpu.memory_space<hbm>> -> memref<200x128xf32, #tpu.memory_space<hbm>>
    %dma_start3A_18 = arith.constant 0 : i32
    %dma_start3A_19 = arith.constant 0 : i32
    %dma_start3A_20 = tpu.memref_slice %arg2[%add3A_13, %dma_start3A_18, %dma_start3A_19] : memref<1024x200x128xf32, #tpu.memory_space<hbm>> -> memref<1x200x128xf32, #tpu.memory_space<hbm>>
    %dma_start3A_21 = tpu.memref_squeeze %dma_start3A_20 : memref<1x200x128xf32, #tpu.memory_space<hbm>> -> memref<200x128xf32, #tpu.memory_space<hbm>>
    tpu.enqueue_dma source(%dma_start3A_21 : memref<200x128xf32, #tpu.memory_space<hbm>>) target(%arg7 : memref<200x128xf32, #tpu.memory_space<vmem>>) target_semaphore(%arg11 : memref<!tpu.dma_semaphore, #tpu.memory_space<semaphore_mem>>)
    %add3A_22 = arith.constant 2 : i32
    %add3A_23 = arith.addi %mul3A_2, %add3A_22 : i32
    %dma_start3A_24 = arith.constant 0 : i32
    %dma_start3A_25 = arith.constant 0 : i32
    %dma_start3A_26 = tpu.memref_slice %arg2[%add3A_23, %dma_start3A_24, %dma_start3A_25] : memref<1024x200x128xf32, #tpu.memory_space<hbm>> -> memref<1x200x128xf32, #tpu.memory_space<hbm>>
    %dma_start3A_27 = tpu.memref_squeeze %dma_start3A_26 : memref<1x200x128xf32, #tpu.memory_space<hbm>> -> memref<200x128xf32, #tpu.memory_space<hbm>>
    %dma_start3A_28 = arith.constant 0 : i32
    %dma_start3A_29 = arith.constant 0 : i32
    %dma_start3A_30 = tpu.memref_slice %arg2[%add3A_23, %dma_start3A_28, %dma_start3A_29] : memref<1024x200x128xf32, #tpu.memory_space<hbm>> -> memref<1x200x128xf32, #tpu.memory_space<hbm>>
    %dma_start3A_31 = tpu.memref_squeeze %dma_start3A_30 : memref<1x200x128xf32, #tpu.memory_space<hbm>> -> memref<200x128xf32, #tpu.memory_space<hbm>>
    tpu.enqueue_dma source(%dma_start3A_31 : memref<200x128xf32, #tpu.memory_space<hbm>>) target(%arg8 : memref<200x128xf32, #tpu.memory_space<vmem>>) target_semaphore(%arg12 : memref<!tpu.dma_semaphore, #tpu.memory_space<semaphore_mem>>)
    %add3A_32 = arith.constant 3 : i32
    %add3A_33 = arith.addi %mul3A_2, %add3A_32 : i32
    %dma_start3A_34 = arith.constant 0 : i32
    %dma_start3A_35 = arith.constant 0 : i32
    %dma_start3A_36 = tpu.memref_slice %arg2[%add3A_33, %dma_start3A_34, %dma_start3A_35] : memref<1024x200x128xf32, #tpu.memory_space<hbm>> -> memref<1x200x128xf32, #tpu.memory_space<hbm>>
    %dma_start3A_37 = tpu.memref_squeeze %dma_start3A_36 : memref<1x200x128xf32, #tpu.memory_space<hbm>> -> memref<200x128xf32, #tpu.memory_space<hbm>>
    %dma_start3A_38 = arith.constant 0 : i32
    %dma_start3A_39 = arith.constant 0 : i32
    %dma_start3A_40 = tpu.memref_slice %arg2[%add3A_33, %dma_start3A_38, %dma_start3A_39] : memref<1024x200x128xf32, #tpu.memory_space<hbm>> -> memref<1x200x128xf32, #tpu.memory_space<hbm>>
    %dma_start3A_41 = tpu.memref_squeeze %dma_start3A_40 : memref<1x200x128xf32, #tpu.memory_space<hbm>> -> memref<200x128xf32, #tpu.memory_space<hbm>>
    tpu.enqueue_dma source(%dma_start3A_41 : memref<200x128xf32, #tpu.memory_space<hbm>>) target(%arg9 : memref<200x128xf32, #tpu.memory_space<vmem>>) target_semaphore(%arg13 : memref<!tpu.dma_semaphore, #tpu.memory_space<semaphore_mem>>)
    %scan3A = arith.constant 0 : i32
    %scan3A_42 = arith.constant 0 : i32
    %scan3A_43 = arith.constant 8 : i32
    %scan3A_44 = arith.addi %scan3A_42, %scan3A_43 : i32
    %scan3A_45 = arith.constant 1 : i32
    scf.for %scan3A_86 = %scan3A_42 to %scan3A_44 step %scan3A_45  : i32 {
      %mul3A_87 = arith.constant 4 : i32
      %mul3A_88 = arith.muli %scan3A_86, %mul3A_87 : i32
      %add3A_89 = arith.constant 0 : i32
      %add3A_90 = arith.addi %mul3A_88, %add3A_89 : i32
      %jit3A = arith.constant 1 : i32
      %div3A = arith.divsi %add3A_90, %jit3A : i32
      %sign3A = arith.constant 0 : i32
      %sign3A_91 = arith.cmpi sgt, %add3A_90, %sign3A : i32
      %sign3A_92 = arith.extui %sign3A_91 : i1 to i32
      %sign3A_93 = arith.constant 0 : i32
      %sign3A_94 = arith.cmpi slt, %add3A_90, %sign3A_93 : i32
      %sign3A_95 = arith.extui %sign3A_94 : i1 to i32
      %sign3A_96 = arith.subi %sign3A_92, %sign3A_95 : i32
      %sign3A_97 = arith.constant 0 : i32
      %sign3A_98 = arith.cmpi sgt, %jit3A, %sign3A_97 : i32
      %sign3A_99 = arith.extui %sign3A_98 : i1 to i32
      %sign3A_100 = arith.constant 0 : i32
      %sign3A_101 = arith.cmpi slt, %jit3A, %sign3A_100 : i32
      %sign3A_102 = arith.extui %sign3A_101 : i1 to i32
      %sign3A_103 = arith.subi %sign3A_99, %sign3A_102 : i32
      %ne3A = arith.cmpi ne, %sign3A_96, %sign3A_103 : i32
      %rem3A = arith.remsi %add3A_90, %jit3A : i32
      %ne3A_104 = arith.constant 0 : i32
      %ne3A_105 = arith.cmpi ne, %rem3A, %ne3A_104 : i32
      %and3A = arith.andi %ne3A, %ne3A_105 : i1
      %sub3A = arith.constant 1 : i32
      %sub3A_106 = arith.subi %div3A, %sub3A : i32
      %select_n3A = arith.select %and3A, %sub3A_106, %div3A : i32
      %add3A_107 = arith.addi %mul3A_2, %select_n3A : i32
      %jit3A_108 = arith.constant 1 : i32
      %eq3A = arith.constant 0 : i32
      %eq3A_109 = arith.cmpi eq, %jit3A_108, %eq3A : i32
      %jit3A_110 = arith.constant 1 : i32
      %select_n3A_111 = arith.select %eq3A_109, %jit3A_110, %jit3A_108 : i32
      %rem3A_112 = arith.remsi %add3A_90, %select_n3A_111 : i32
      %ne3A_113 = arith.constant 0 : i32
      %ne3A_114 = arith.cmpi ne, %rem3A_112, %ne3A_113 : i32
      %lt3A = arith.constant 0 : i32
      %lt3A_115 = arith.cmpi slt, %rem3A_112, %lt3A : i32
      %lt3A_116 = arith.constant 0 : i32
      %lt3A_117 = arith.cmpi slt, %select_n3A_111, %lt3A_116 : i32
      %ne3A_118 = arith.xori %lt3A_115, %lt3A_117 : i1
      %and3A_119 = arith.andi %ne3A_118, %ne3A_114 : i1
      %add3A_120 = arith.addi %rem3A_112, %select_n3A_111 : i32
      %select_n3A_121 = arith.select %and3A_119, %add3A_120, %rem3A_112 : i32
      %mul3A_122 = arith.constant 200 : i32
      %mul3A_123 = arith.muli %select_n3A_121, %mul3A_122 : i32
      %dma_wait3A_124 = arith.constant 0 : i32
      %dma_wait3A_125 = tpu.memref_slice %arg2[%add3A_107, %mul3A_123, %dma_wait3A_124] : memref<1024x200x128xf32, #tpu.memory_space<hbm>> -> memref<1x200x128xf32, #tpu.memory_space<hbm>>
      %dma_wait3A_126 = tpu.memref_squeeze %dma_wait3A_125 : memref<1x200x128xf32, #tpu.memory_space<hbm>> -> memref<200x128xf32, #tpu.memory_space<hbm>>
      %dma_wait3A_127 = arith.constant 0 : i32
      %dma_wait3A_128 = tpu.memref_slice %arg2[%add3A_107, %mul3A_123, %dma_wait3A_127] : memref<1024x200x128xf32, #tpu.memory_space<hbm>> -> memref<1x200x128xf32, #tpu.memory_space<hbm>>
      %dma_wait3A_129 = tpu.memref_squeeze %dma_wait3A_128 : memref<1x200x128xf32, #tpu.memory_space<hbm>> -> memref<200x128xf32, #tpu.memory_space<hbm>>
      tpu.wait_dma2 semaphore(%arg10 : memref<!tpu.dma_semaphore, #tpu.memory_space<semaphore_mem>>) src(%dma_wait3A_129 : memref<200x128xf32, #tpu.memory_space<hbm>>) dst(%arg6 : memref<200x128xf32, #tpu.memory_space<vmem>>)
      %jit3A_130 = arith.constant 1 : i32
      %eq3A_131 = arith.constant 0 : i32
      %eq3A_132 = arith.cmpi eq, %jit3A_130, %eq3A_131 : i32
      %jit3A_133 = arith.constant 1 : i32
      %select_n3A_134 = arith.select %eq3A_132, %jit3A_133, %jit3A_130 : i32
      %rem3A_135 = arith.remsi %add3A_90, %select_n3A_134 : i32
      %ne3A_136 = arith.constant 0 : i32
      %ne3A_137 = arith.cmpi ne, %rem3A_135, %ne3A_136 : i32
      %lt3A_138 = arith.constant 0 : i32
      %lt3A_139 = arith.cmpi slt, %rem3A_135, %lt3A_138 : i32
      %lt3A_140 = arith.constant 0 : i32
      %lt3A_141 = arith.cmpi slt, %select_n3A_134, %lt3A_140 : i32
      %ne3A_142 = arith.xori %lt3A_139, %lt3A_141 : i1
      %and3A_143 = arith.andi %ne3A_142, %ne3A_137 : i1
      %add3A_144 = arith.addi %rem3A_135, %select_n3A_134 : i32
      %select_n3A_145 = arith.select %and3A_143, %add3A_144, %rem3A_135 : i32
      %mul3A_146 = arith.constant 200 : i32
      %mul3A_147 = arith.muli %select_n3A_145, %mul3A_146 : i32
      %scan3A_148 = arith.constant 0 : i32
      %scan3A_149 = arith.constant 0 : i32
      %scan3A_150 = arith.constant 200 : i32
      %scan3A_151 = arith.addi %scan3A_149, %scan3A_150 : i32
      %scan3A_152 = arith.constant 2 : i32
      scf.for %scan3A_446 = %scan3A_149 to %scan3A_151 step %scan3A_152  : i32 {
        %add3A_447 = arith.addi %mul3A_147, %scan3A_446 : i32
        %get3A = arith.index_cast %add3A_447 : i32 to index
        %get3A_448 = arith.constant 0 : index
        %get3A_449 = tpu.vector_load %arg5[%get3A, %get3A_448] {strides = array<i32>} : memref<200x128xf32, #tpu.memory_space<vmem>>, vector<1x16xf32>,
        %get3A_450 = vector.shape_cast %get3A_449 : vector<1x16xf32> to vector<16xf32>
        %swap3A = arith.index_cast %scan3A_446 : i32 to index
        %swap3A_451 = arith.constant 0 : index
        %swap3A_452 = tpu.vector_load %arg6[%swap3A, %swap3A_451] {strides = array<i32>} : memref<200x128xf32, #tpu.memory_space<vmem>>, vector<1x16xf32>,
        %swap3A_453 = vector.shape_cast %swap3A_452 : vector<1x16xf32> to vector<16xf32>
        %swap3A_454 = vector.shape_cast %get3A_450 : vector<16xf32> to vector<1x16xf32>
        tpu.vector_store %arg6[%swap3A, %swap3A_451], %swap3A_454 {add = true, strides = array<i32>} : memref<200x128xf32, #tpu.memory_space<vmem>>, vector<1x16xf32>,
        %add3A_455 = arith.addi %mul3A_147, %scan3A_446 : i32
        %get3A_456 = arith.index_cast %add3A_455 : i32 to index
        %get3A_457 = arith.constant 16 : index
        %get3A_458 = tpu.vector_load %arg5[%get3A_456, %get3A_457] {strides = array<i32>} : memref<200x128xf32, #tpu.memory_space<vmem>>, vector<1x16xf32>,
        %get3A_459 = vector.shape_cast %get3A_458 : vector<1x16xf32> to vector<16xf32>
        %swap3A_460 = arith.index_cast %scan3A_446 : i32 to index
        %swap3A_461 = arith.constant 16 : index
        %swap3A_462 = tpu.vector_load %arg6[%swap3A_460, %swap3A_461] {strides = array<i32>} : memref<200x128xf32, #tpu.memory_space<vmem>>, vector<1x16xf32>,
        %swap3A_463 = vector.shape_cast %swap3A_462 : vector<1x16xf32> to vector<16xf32>
        %swap3A_464 = vector.shape_cast %get3A_459 : vector<16xf32> to vector<1x16xf32>
        tpu.vector_store %arg6[%swap3A_460, %swap3A_461], %swap3A_464 {add = true, strides = array<i32>} : memref<200x128xf32, #tpu.memory_space<vmem>>, vector<1x16xf32>,
        %add3A_465 = arith.addi %mul3A_147, %scan3A_446 : i32
        %get3A_466 = arith.index_cast %add3A_465 : i32 to index
        %get3A_467 = arith.constant 32 : index
        %get3A_468 = tpu.vector_load %arg5[%get3A_466, %get3A_467] {strides = array<i32>} : memref<200x128xf32, #tpu.memory_space<vmem>>, vector<1x16xf32>,
        %get3A_469 = vector.shape_cast %get3A_468 : vector<1x16xf32> to vector<16xf32>
        %swap3A_470 = arith.index_cast %scan3A_446 : i32 to index
        %swap3A_471 = arith.constant 32 : index
        %swap3A_472 = tpu.vector_load %arg6[%swap3A_470, %swap3A_471] {strides = array<i32>} : memref<200x128xf32, #tpu.memory_space<vmem>>, vector<1x16xf32>,
        %swap3A_473 = vector.shape_cast %swap3A_472 : vector<1x16xf32> to vector<16xf32>
        %swap3A_474 = vector.shape_cast %get3A_469 : vector<16xf32> to vector<1x16xf32>
        tpu.vector_store %arg6[%swap3A_470, %swap3A_471], %swap3A_474 {add = true, strides = array<i32>} : memref<200x128xf32, #tpu.memory_space<vmem>>, vector<1x16xf32>,
        %add3A_475 = arith.addi %mul3A_147, %scan3A_446 : i32
        %get3A_476 = arith.index_cast %add3A_475 : i32 to index
        %get3A_477 = arith.constant 48 : index
        %get3A_478 = tpu.vector_load %arg5[%get3A_476, %get3A_477] {strides = array<i32>} : memref<200x128xf32, #tpu.memory_space<vmem>>, vector<1x16xf32>,
        %get3A_479 = vector.shape_cast %get3A_478 : vector<1x16xf32> to vector<16xf32>
        %swap3A_480 = arith.index_cast %scan3A_446 : i32 to index
        %swap3A_481 = arith.constant 48 : index
        %swap3A_482 = tpu.vector_load %arg6[%swap3A_480, %swap3A_481] {strides = array<i32>} : memref<200x128xf32, #tpu.memory_space<vmem>>, vector<1x16xf32>,
        %swap3A_483 = vector.shape_cast %swap3A_482 : vector<1x16xf32> to vector<16xf32>
        %swap3A_484 = vector.shape_cast %get3A_479 : vector<16xf32> to vector<1x16xf32>
        tpu.vector_store %arg6[%swap3A_480, %swap3A_481], %swap3A_484 {add = true, strides = array<i32>} : memref<200x128xf32, #tpu.memory_space<vmem>>, vector<1x16xf32>,
        %add3A_485 = arith.addi %mul3A_147, %scan3A_446 : i32
        %get3A_486 = arith.index_cast %add3A_485 : i32 to index
        %get3A_487 = arith.constant 64 : index
        %get3A_488 = tpu.vector_load %arg5[%get3A_486, %get3A_487] {strides = array<i32>} : memref<200x128xf32, #tpu.memory_space<vmem>>, vector<1x16xf32>,
        %get3A_489 = vector.shape_cast %get3A_488 : vector<1x16xf32> to vector<16xf32>
        %swap3A_490 = arith.index_cast %scan3A_446 : i32 to index
        %swap3A_491 = arith.constant 64 : index
        %swap3A_492 = tpu.vector_load %arg6[%swap3A_490, %swap3A_491] {strides = array<i32>} : memref<200x128xf32, #tpu.memory_space<vmem>>, vector<1x16xf32>,
        %swap3A_493 = vector.shape_cast %swap3A_492 : vector<1x16xf32> to vector<16xf32>
        %swap3A_494 = vector.shape_cast %get3A_489 : vector<16xf32> to vector<1x16xf32>
        tpu.vector_store %arg6[%swap3A_490, %swap3A_491], %swap3A_494 {add = true, strides = array<i32>} : memref<200x128xf32, #tpu.memory_space<vmem>>, vector<1x16xf32>,
        %add3A_495 = arith.addi %mul3A_147, %scan3A_446 : i32
        %get3A_496 = arith.index_cast %add3A_495 : i32 to index
        %get3A_497 = arith.constant 80 : index
        %get3A_498 = tpu.vector_load %arg5[%get3A_496, %get3A_497] {strides = array<i32>} : memref<200x128xf32, #tpu.memory_space<vmem>>, vector<1x16xf32>,
        %get3A_499 = vector.shape_cast %get3A_498 : vector<1x16xf32> to vector<16xf32>
        %swap3A_500 = arith.index_cast %scan3A_446 : i32 to index
        %swap3A_501 = arith.constant 80 : index
        %swap3A_502 = tpu.vector_load %arg6[%swap3A_500, %swap3A_501] {strides = array<i32>} : memref<200x128xf32, #tpu.memory_space<vmem>>, vector<1x16xf32>,
        %swap3A_503 = vector.shape_cast %swap3A_502 : vector<1x16xf32> to vector<16xf32>
        %swap3A_504 = vector.shape_cast %get3A_499 : vector<16xf32> to vector<1x16xf32>
        tpu.vector_store %arg6[%swap3A_500, %swap3A_501], %swap3A_504 {add = true, strides = array<i32>} : memref<200x128xf32, #tpu.memory_space<vmem>>, vector<1x16xf32>,
        %add3A_505 = arith.addi %mul3A_147, %scan3A_446 : i32
        %get3A_506 = arith.index_cast %add3A_505 : i32 to index
        %get3A_507 = arith.constant 96 : index
        %get3A_508 = tpu.vector_load %arg5[%get3A_506, %get3A_507] {strides = array<i32>} : memref<200x128xf32, #tpu.memory_space<vmem>>, vector<1x16xf32>,
        %get3A_509 = vector.shape_cast %get3A_508 : vector<1x16xf32> to vector<16xf32>
        %swap3A_510 = arith.index_cast %scan3A_446 : i32 to index
        %swap3A_511 = arith.constant 96 : index
        %swap3A_512 = tpu.vector_load %arg6[%swap3A_510, %swap3A_511] {strides = array<i32>} : memref<200x128xf32, #tpu.memory_space<vmem>>, vector<1x16xf32>,
        %swap3A_513 = vector.shape_cast %swap3A_512 : vector<1x16xf32> to vector<16xf32>
        %swap3A_514 = vector.shape_cast %get3A_509 : vector<16xf32> to vector<1x16xf32>
        tpu.vector_store %arg6[%swap3A_510, %swap3A_511], %swap3A_514 {add = true, strides = array<i32>} : memref<200x128xf32, #tpu.memory_space<vmem>>, vector<1x16xf32>,
        %add3A_515 = arith.addi %mul3A_147, %scan3A_446 : i32
        %get3A_516 = arith.index_cast %add3A_515 : i32 to index
        %get3A_517 = arith.constant 112 : index
        %get3A_518 = tpu.vector_load %arg5[%get3A_516, %get3A_517] {strides = array<i32>} : memref<200x128xf32, #tpu.memory_space<vmem>>, vector<1x16xf32>,
        %get3A_519 = vector.shape_cast %get3A_518 : vector<1x16xf32> to vector<16xf32>
        %swap3A_520 = arith.index_cast %scan3A_446 : i32 to index
        %swap3A_521 = arith.constant 112 : index
        %swap3A_522 = tpu.vector_load %arg6[%swap3A_520, %swap3A_521] {strides = array<i32>} : memref<200x128xf32, #tpu.memory_space<vmem>>, vector<1x16xf32>,
        %swap3A_523 = vector.shape_cast %swap3A_522 : vector<1x16xf32> to vector<16xf32>
        %swap3A_524 = vector.shape_cast %get3A_519 : vector<16xf32> to vector<1x16xf32>
        tpu.vector_store %arg6[%swap3A_520, %swap3A_521], %swap3A_524 {add = true, strides = array<i32>} : memref<200x128xf32, #tpu.memory_space<vmem>>, vector<1x16xf32>,
        %scan3A_525 = arith.constant 1 : i32
        %scan3A_526 = arith.addi %scan3A_446, %scan3A_525 : i32
        %add3A_527 = arith.addi %mul3A_147, %scan3A_526 : i32
        %get3A_528 = arith.index_cast %add3A_527 : i32 to index
        %get3A_529 = arith.constant 0 : index
        %get3A_530 = tpu.vector_load %arg5[%get3A_528, %get3A_529] {strides = array<i32>} : memref<200x128xf32, #tpu.memory_space<vmem>>, vector<1x16xf32>,
        %get3A_531 = vector.shape_cast %get3A_530 : vector<1x16xf32> to vector<16xf32>
        %swap3A_532 = arith.index_cast %scan3A_526 : i32 to index
        %swap3A_533 = arith.constant 0 : index
        %swap3A_534 = tpu.vector_load %arg6[%swap3A_532, %swap3A_533] {strides = array<i32>} : memref<200x128xf32, #tpu.memory_space<vmem>>, vector<1x16xf32>,
        %swap3A_535 = vector.shape_cast %swap3A_534 : vector<1x16xf32> to vector<16xf32>
        %swap3A_536 = vector.shape_cast %get3A_531 : vector<16xf32> to vector<1x16xf32>
        tpu.vector_store %arg6[%swap3A_532, %swap3A_533], %swap3A_536 {add = true, strides = array<i32>} : memref<200x128xf32, #tpu.memory_space<vmem>>, vector<1x16xf32>,
        %add3A_537 = arith.addi %mul3A_147, %scan3A_526 : i32
        %get3A_538 = arith.index_cast %add3A_537 : i32 to index
        %get3A_539 = arith.constant 16 : index
        %get3A_540 = tpu.vector_load %arg5[%get3A_538, %get3A_539] {strides = array<i32>} : memref<200x128xf32, #tpu.memory_space<vmem>>, vector<1x16xf32>,
        %get3A_541 = vector.shape_cast %get3A_540 : vector<1x16xf32> to vector<16xf32>
        %swap3A_542 = arith.index_cast %scan3A_526 : i32 to index
        %swap3A_543 = arith.constant 16 : index
        %swap3A_544 = tpu.vector_load %arg6[%swap3A_542, %swap3A_543] {strides = array<i32>} : memref<200x128xf32, #tpu.memory_space<vmem>>, vector<1x16xf32>,
        %swap3A_545 = vector.shape_cast %swap3A_544 : vector<1x16xf32> to vector<16xf32>
        %swap3A_546 = vector.shape_cast %get3A_541 : vector<16xf32> to vector<1x16xf32>
        tpu.vector_store %arg6[%swap3A_542, %swap3A_543], %swap3A_546 {add = true, strides = array<i32>} : memref<200x128xf32, #tpu.memory_space<vmem>>, vector<1x16xf32>,
        %add3A_547 = arith.addi %mul3A_147, %scan3A_526 : i32
        %get3A_548 = arith.index_cast %add3A_547 : i32 to index
        %get3A_549 = arith.constant 32 : index
        %get3A_550 = tpu.vector_load %arg5[%get3A_548, %get3A_549] {strides = array<i32>} : memref<200x128xf32, #tpu.memory_space<vmem>>, vector<1x16xf32>,
        %get3A_551 = vector.shape_cast %get3A_550 : vector<1x16xf32> to vector<16xf32>
        %swap3A_552 = arith.index_cast %scan3A_526 : i32 to index
        %swap3A_553 = arith.constant 32 : index
        %swap3A_554 = tpu.vector_load %arg6[%swap3A_552, %swap3A_553] {strides = array<i32>} : memref<200x128xf32, #tpu.memory_space<vmem>>, vector<1x16xf32>,
        %swap3A_555 = vector.shape_cast %swap3A_554 : vector<1x16xf32> to vector<16xf32>
        %swap3A_556 = vector.shape_cast %get3A_551 : vector<16xf32> to vector<1x16xf32>
        tpu.vector_store %arg6[%swap3A_552, %swap3A_553], %swap3A_556 {add = true, strides = array<i32>} : memref<200x128xf32, #tpu.memory_space<vmem>>, vector<1x16xf32>,
        %add3A_557 = arith.addi %mul3A_147, %scan3A_526 : i32
        %get3A_558 = arith.index_cast %add3A_557 : i32 to index
        %get3A_559 = arith.constant 48 : index
        %get3A_560 = tpu.vector_load %arg5[%get3A_558, %get3A_559] {strides = array<i32>} : memref<200x128xf32, #tpu.memory_space<vmem>>, vector<1x16xf32>,
        %get3A_561 = vector.shape_cast %get3A_560 : vector<1x16xf32> to vector<16xf32>
        %swap3A_562 = arith.index_cast %scan3A_526 : i32 to index
        %swap3A_563 = arith.constant 48 : index
        %swap3A_564 = tpu.vector_load %arg6[%swap3A_562, %swap3A_563] {strides = array<i32>} : memref<200x128xf32, #tpu.memory_space<vmem>>, vector<1x16xf32>,
        %swap3A_565 = vector.shape_cast %swap3A_564 : vector<1x16xf32> to vector<16xf32>
        %swap3A_566 = vector.shape_cast %get3A_561 : vector<16xf32> to vector<1x16xf32>
        tpu.vector_store %arg6[%swap3A_562, %swap3A_563], %swap3A_566 {add = true, strides = array<i32>} : memref<200x128xf32, #tpu.memory_space<vmem>>, vector<1x16xf32>,
        %add3A_567 = arith.addi %mul3A_147, %scan3A_526 : i32
        %get3A_568 = arith.index_cast %add3A_567 : i32 to index
        %get3A_569 = arith.constant 64 : index
        %get3A_570 = tpu.vector_load %arg5[%get3A_568, %get3A_569] {strides = array<i32>} : memref<200x128xf32, #tpu.memory_space<vmem>>, vector<1x16xf32>,
        %get3A_571 = vector.shape_cast %get3A_570 : vector<1x16xf32> to vector<16xf32>
        %swap3A_572 = arith.index_cast %scan3A_526 : i32 to index
        %swap3A_573 = arith.constant 64 : index
        %swap3A_574 = tpu.vector_load %arg6[%swap3A_572, %swap3A_573] {strides = array<i32>} : memref<200x128xf32, #tpu.memory_space<vmem>>, vector<1x16xf32>,
        %swap3A_575 = vector.shape_cast %swap3A_574 : vector<1x16xf32> to vector<16xf32>
        %swap3A_576 = vector.shape_cast %get3A_571 : vector<16xf32> to vector<1x16xf32>
        tpu.vector_store %arg6[%swap3A_572, %swap3A_573], %swap3A_576 {add = true, strides = array<i32>} : memref<200x128xf32, #tpu.memory_space<vmem>>, vector<1x16xf32>,
        %add3A_577 = arith.addi %mul3A_147, %scan3A_526 : i32
        %get3A_578 = arith.index_cast %add3A_577 : i32 to index
        %get3A_579 = arith.constant 80 : index
        %get3A_580 = tpu.vector_load %arg5[%get3A_578, %get3A_579] {strides = array<i32>} : memref<200x128xf32, #tpu.memory_space<vmem>>, vector<1x16xf32>,
        %get3A_581 = vector.shape_cast %get3A_580 : vector<1x16xf32> to vector<16xf32>
        %swap3A_582 = arith.index_cast %scan3A_526 : i32 to index
        %swap3A_583 = arith.constant 80 : index
        %swap3A_584 = tpu.vector_load %arg6[%swap3A_582, %swap3A_583] {strides = array<i32>} : memref<200x128xf32, #tpu.memory_space<vmem>>, vector<1x16xf32>,
        %swap3A_585 = vector.shape_cast %swap3A_584 : vector<1x16xf32> to vector<16xf32>
        %swap3A_586 = vector.shape_cast %get3A_581 : vector<16xf32> to vector<1x16xf32>
        tpu.vector_store %arg6[%swap3A_582, %swap3A_583], %swap3A_586 {add = true, strides = array<i32>} : memref<200x128xf32, #tpu.memory_space<vmem>>, vector<1x16xf32>,
        %add3A_587 = arith.addi %mul3A_147, %scan3A_526 : i32
        %get3A_588 = arith.index_cast %add3A_587 : i32 to index
        %get3A_589 = arith.constant 96 : index
        %get3A_590 = tpu.vector_load %arg5[%get3A_588, %get3A_589] {strides = array<i32>} : memref<200x128xf32, #tpu.memory_space<vmem>>, vector<1x16xf32>,
        %get3A_591 = vector.shape_cast %get3A_590 : vector<1x16xf32> to vector<16xf32>
        %swap3A_592 = arith.index_cast %scan3A_526 : i32 to index
        %swap3A_593 = arith.constant 96 : index
        %swap3A_594 = tpu.vector_load %arg6[%swap3A_592, %swap3A_593] {strides = array<i32>} : memref<200x128xf32, #tpu.memory_space<vmem>>, vector<1x16xf32>,
        %swap3A_595 = vector.shape_cast %swap3A_594 : vector<1x16xf32> to vector<16xf32>
        %swap3A_596 = vector.shape_cast %get3A_591 : vector<16xf32> to vector<1x16xf32>
        tpu.vector_store %arg6[%swap3A_592, %swap3A_593], %swap3A_596 {add = true, strides = array<i32>} : memref<200x128xf32, #tpu.memory_space<vmem>>, vector<1x16xf32>,
        %add3A_597 = arith.addi %mul3A_147, %scan3A_526 : i32
        %get3A_598 = arith.index_cast %add3A_597 : i32 to index
        %get3A_599 = arith.constant 112 : index
        %get3A_600 = tpu.vector_load %arg5[%get3A_598, %get3A_599] {strides = array<i32>} : memref<200x128xf32, #tpu.memory_space<vmem>>, vector<1x16xf32>,
        %get3A_601 = vector.shape_cast %get3A_600 : vector<1x16xf32> to vector<16xf32>
        %swap3A_602 = arith.index_cast %scan3A_526 : i32 to index
        %swap3A_603 = arith.constant 112 : index
        %swap3A_604 = tpu.vector_load %arg6[%swap3A_602, %swap3A_603] {strides = array<i32>} : memref<200x128xf32, #tpu.memory_space<vmem>>, vector<1x16xf32>,
        %swap3A_605 = vector.shape_cast %swap3A_604 : vector<1x16xf32> to vector<16xf32>
        %swap3A_606 = vector.shape_cast %get3A_601 : vector<16xf32> to vector<1x16xf32>
        tpu.vector_store %arg6[%swap3A_602, %swap3A_603], %swap3A_606 {add = true, strides = array<i32>} : memref<200x128xf32, #tpu.memory_space<vmem>>, vector<1x16xf32>,
      }
      %scan3A_153 = arith.constant 200 : i32
      %dma_start3A_154 = arith.constant 0 : i32
      %dma_start3A_155 = tpu.memref_slice %arg4[%add3A_107, %mul3A_123, %dma_start3A_154] : memref<1024x200x128xf32, #tpu.memory_space<hbm>> -> memref<1x200x128xf32, #tpu.memory_space<hbm>>
      %dma_start3A_156 = tpu.memref_squeeze %dma_start3A_155 : memref<1x200x128xf32, #tpu.memory_space<hbm>> -> memref<200x128xf32, #tpu.memory_space<hbm>>
      %dma_start3A_157 = arith.constant 0 : i32
      %dma_start3A_158 = tpu.memref_slice %arg4[%add3A_107, %mul3A_123, %dma_start3A_157] : memref<1024x200x128xf32, #tpu.memory_space<hbm>> -> memref<1x200x128xf32, #tpu.memory_space<hbm>>
      %dma_start3A_159 = tpu.memref_squeeze %dma_start3A_158 : memref<1x200x128xf32, #tpu.memory_space<hbm>> -> memref<200x128xf32, #tpu.memory_space<hbm>>
      tpu.enqueue_dma source(%arg6 : memref<200x128xf32, #tpu.memory_space<vmem>>) target(%dma_start3A_159 : memref<200x128xf32, #tpu.memory_space<hbm>>) target_semaphore(%arg14 : memref<!tpu.dma_semaphore, #tpu.memory_space<semaphore_mem>>)
      %add3A_160 = arith.constant 2 : i32
      %add3A_161 = arith.addi %add3A_90, %add3A_160 : i32
      %ge3A = arith.constant 4 : i32
      %ge3A_162 = arith.cmpi sge, %add3A_161, %ge3A : i32
      %lt3A_163 = arith.constant 32 : i32
      %lt3A_164 = arith.cmpi slt, %add3A_161, %lt3A_163 : i32
      %and3A_165 = arith.andi %ge3A_162, %lt3A_164 : i1
      %convert_element_type3A = arith.extui %and3A_165 : i1 to i32
      %cond3A = arith.constant 0 : i32
      %cond3A_166 = arith.cmpi ne, %convert_element_type3A, %cond3A : i32
      scf.if %cond3A_166 {
        %sub3A_446 = arith.constant 4 : i32
        %sub3A_447 = arith.subi %add3A_161, %sub3A_446 : i32
        %jit3A_448 = arith.constant 1 : i32
        %div3A_449 = arith.divsi %sub3A_447, %jit3A_448 : i32
        %sign3A_450 = arith.constant 0 : i32
        %sign3A_451 = arith.cmpi sgt, %sub3A_447, %sign3A_450 : i32
        %sign3A_452 = arith.extui %sign3A_451 : i1 to i32
        %sign3A_453 = arith.constant 0 : i32
        %sign3A_454 = arith.cmpi slt, %sub3A_447, %sign3A_453 : i32
        %sign3A_455 = arith.extui %sign3A_454 : i1 to i32
        %sign3A_456 = arith.subi %sign3A_452, %sign3A_455 : i32
        %sign3A_457 = arith.constant 0 : i32
        %sign3A_458 = arith.cmpi sgt, %jit3A_448, %sign3A_457 : i32
        %sign3A_459 = arith.extui %sign3A_458 : i1 to i32
        %sign3A_460 = arith.constant 0 : i32
        %sign3A_461 = arith.cmpi slt, %jit3A_448, %sign3A_460 : i32
        %sign3A_462 = arith.extui %sign3A_461 : i1 to i32
        %sign3A_463 = arith.subi %sign3A_459, %sign3A_462 : i32
        %ne3A_464 = arith.cmpi ne, %sign3A_456, %sign3A_463 : i32
        %rem3A_465 = arith.remsi %sub3A_447, %jit3A_448 : i32
        %ne3A_466 = arith.constant 0 : i32
        %ne3A_467 = arith.cmpi ne, %rem3A_465, %ne3A_466 : i32
        %and3A_468 = arith.andi %ne3A_464, %ne3A_467 : i1
        %sub3A_469 = arith.constant 1 : i32
        %sub3A_470 = arith.subi %div3A_449, %sub3A_469 : i32
        %select_n3A_471 = arith.select %and3A_468, %sub3A_470, %div3A_449 : i32
        %add3A_472 = arith.addi %mul3A_2, %select_n3A_471 : i32
        %jit3A_473 = arith.constant 1 : i32
        %eq3A_474 = arith.constant 0 : i32
        %eq3A_475 = arith.cmpi eq, %jit3A_473, %eq3A_474 : i32
        %jit3A_476 = arith.constant 1 : i32
        %select_n3A_477 = arith.select %eq3A_475, %jit3A_476, %jit3A_473 : i32
        %rem3A_478 = arith.remsi %sub3A_447, %select_n3A_477 : i32
        %ne3A_479 = arith.constant 0 : i32
        %ne3A_480 = arith.cmpi ne, %rem3A_478, %ne3A_479 : i32
        %lt3A_481 = arith.constant 0 : i32
        %lt3A_482 = arith.cmpi slt, %rem3A_478, %lt3A_481 : i32
        %lt3A_483 = arith.constant 0 : i32
        %lt3A_484 = arith.cmpi slt, %select_n3A_477, %lt3A_483 : i32
        %ne3A_485 = arith.xori %lt3A_482, %lt3A_484 : i1
        %and3A_486 = arith.andi %ne3A_485, %ne3A_480 : i1
        %add3A_487 = arith.addi %rem3A_478, %select_n3A_477 : i32
        %select_n3A_488 = arith.select %and3A_486, %add3A_487, %rem3A_478 : i32
        %mul3A_489 = arith.constant 200 : i32
        %mul3A_490 = arith.muli %select_n3A_488, %mul3A_489 : i32
        %dma_wait3A_491 = arith.constant 0 : i32
        %dma_wait3A_492 = tpu.memref_slice %arg4[%add3A_472, %mul3A_490, %dma_wait3A_491] : memref<1024x200x128xf32, #tpu.memory_space<hbm>> -> memref<1x200x128xf32, #tpu.memory_space<hbm>>
        %dma_wait3A_493 = tpu.memref_squeeze %dma_wait3A_492 : memref<1x200x128xf32, #tpu.memory_space<hbm>> -> memref<200x128xf32, #tpu.memory_space<hbm>>
        %dma_wait3A_494 = arith.constant 0 : i32
        %dma_wait3A_495 = tpu.memref_slice %arg4[%add3A_472, %mul3A_490, %dma_wait3A_494] : memref<1024x200x128xf32, #tpu.memory_space<hbm>> -> memref<1x200x128xf32, #tpu.memory_space<hbm>>
        %dma_wait3A_496 = tpu.memref_squeeze %dma_wait3A_495 : memref<1x200x128xf32, #tpu.memory_space<hbm>> -> memref<200x128xf32, #tpu.memory_space<hbm>>
        tpu.wait_dma2 semaphore(%arg16 : memref<!tpu.dma_semaphore, #tpu.memory_space<semaphore_mem>>) src(%arg8 : memref<200x128xf32, #tpu.memory_space<vmem>>) dst(%dma_wait3A_496 : memref<200x128xf32, #tpu.memory_space<hbm>>)
        %jit3A_497 = arith.constant 1 : i32
        %div3A_498 = arith.divsi %add3A_161, %jit3A_497 : i32
        %sign3A_499 = arith.constant 0 : i32
        %sign3A_500 = arith.cmpi sgt, %add3A_161, %sign3A_499 : i32
        %sign3A_501 = arith.extui %sign3A_500 : i1 to i32
        %sign3A_502 = arith.constant 0 : i32
        %sign3A_503 = arith.cmpi slt, %add3A_161, %sign3A_502 : i32
        %sign3A_504 = arith.extui %sign3A_503 : i1 to i32
        %sign3A_505 = arith.subi %sign3A_501, %sign3A_504 : i32
        %sign3A_506 = arith.constant 0 : i32
        %sign3A_507 = arith.cmpi sgt, %jit3A_497, %sign3A_506 : i32
        %sign3A_508 = arith.extui %sign3A_507 : i1 to i32
        %sign3A_509 = arith.constant 0 : i32
        %sign3A_510 = arith.cmpi slt, %jit3A_497, %sign3A_509 : i32
        %sign3A_511 = arith.extui %sign3A_510 : i1 to i32
        %sign3A_512 = arith.subi %sign3A_508, %sign3A_511 : i32
        %ne3A_513 = arith.cmpi ne, %sign3A_505, %sign3A_512 : i32
        %rem3A_514 = arith.remsi %add3A_161, %jit3A_497 : i32
        %ne3A_515 = arith.constant 0 : i32
        %ne3A_516 = arith.cmpi ne, %rem3A_514, %ne3A_515 : i32
        %and3A_517 = arith.andi %ne3A_513, %ne3A_516 : i1
        %sub3A_518 = arith.constant 1 : i32
        %sub3A_519 = arith.subi %div3A_498, %sub3A_518 : i32
        %select_n3A_520 = arith.select %and3A_517, %sub3A_519, %div3A_498 : i32
        %add3A_521 = arith.addi %mul3A_2, %select_n3A_520 : i32
        %jit3A_522 = arith.constant 1 : i32
        %eq3A_523 = arith.constant 0 : i32
        %eq3A_524 = arith.cmpi eq, %jit3A_522, %eq3A_523 : i32
        %jit3A_525 = arith.constant 1 : i32
        %select_n3A_526 = arith.select %eq3A_524, %jit3A_525, %jit3A_522 : i32
        %rem3A_527 = arith.remsi %add3A_161, %select_n3A_526 : i32
        %ne3A_528 = arith.constant 0 : i32
        %ne3A_529 = arith.cmpi ne, %rem3A_527, %ne3A_528 : i32
        %lt3A_530 = arith.constant 0 : i32
        %lt3A_531 = arith.cmpi slt, %rem3A_527, %lt3A_530 : i32
        %lt3A_532 = arith.constant 0 : i32
        %lt3A_533 = arith.cmpi slt, %select_n3A_526, %lt3A_532 : i32
        %ne3A_534 = arith.xori %lt3A_531, %lt3A_533 : i1
        %and3A_535 = arith.andi %ne3A_534, %ne3A_529 : i1
        %add3A_536 = arith.addi %rem3A_527, %select_n3A_526 : i32
        %select_n3A_537 = arith.select %and3A_535, %add3A_536, %rem3A_527 : i32
        %mul3A_538 = arith.constant 200 : i32
        %mul3A_539 = arith.muli %select_n3A_537, %mul3A_538 : i32
        %dma_start3A_540 = arith.constant 0 : i32
        %dma_start3A_541 = tpu.memref_slice %arg2[%add3A_521, %mul3A_539, %dma_start3A_540] : memref<1024x200x128xf32, #tpu.memory_space<hbm>> -> memref<1x200x128xf32, #tpu.memory_space<hbm>>
        %dma_start3A_542 = tpu.memref_squeeze %dma_start3A_541 : memref<1x200x128xf32, #tpu.memory_space<hbm>> -> memref<200x128xf32, #tpu.memory_space<hbm>>
        %dma_start3A_543 = arith.constant 0 : i32
        %dma_start3A_544 = tpu.memref_slice %arg2[%add3A_521, %mul3A_539, %dma_start3A_543] : memref<1024x200x128xf32, #tpu.memory_space<hbm>> -> memref<1x200x128xf32, #tpu.memory_space<hbm>>
        %dma_start3A_545 = tpu.memref_squeeze %dma_start3A_544 : memref<1x200x128xf32, #tpu.memory_space<hbm>> -> memref<200x128xf32, #tpu.memory_space<hbm>>
        tpu.enqueue_dma source(%dma_start3A_545 : memref<200x128xf32, #tpu.memory_space<hbm>>) target(%arg8 : memref<200x128xf32, #tpu.memory_space<vmem>>) target_semaphore(%arg12 : memref<!tpu.dma_semaphore, #tpu.memory_space<semaphore_mem>>)
      } else {
      }
      %mul3A_167 = arith.constant 4 : i32
      %mul3A_168 = arith.muli %scan3A_86, %mul3A_167 : i32
      %add3A_169 = arith.constant 1 : i32
      %add3A_170 = arith.addi %mul3A_168, %add3A_169 : i32
      %jit3A_171 = arith.constant 1 : i32
      %div3A_172 = arith.divsi %add3A_170, %jit3A_171 : i32
      %sign3A_173 = arith.constant 0 : i32
      %sign3A_174 = arith.cmpi sgt, %add3A_170, %sign3A_173 : i32
      %sign3A_175 = arith.extui %sign3A_174 : i1 to i32
      %sign3A_176 = arith.constant 0 : i32
      %sign3A_177 = arith.cmpi slt, %add3A_170, %sign3A_176 : i32
      %sign3A_178 = arith.extui %sign3A_177 : i1 to i32
      %sign3A_179 = arith.subi %sign3A_175, %sign3A_178 : i32
      %sign3A_180 = arith.constant 0 : i32
      %sign3A_181 = arith.cmpi sgt, %jit3A_171, %sign3A_180 : i32
      %sign3A_182 = arith.extui %sign3A_181 : i1 to i32
      %sign3A_183 = arith.constant 0 : i32
      %sign3A_184 = arith.cmpi slt, %jit3A_171, %sign3A_183 : i32
      %sign3A_185 = arith.extui %sign3A_184 : i1 to i32
      %sign3A_186 = arith.subi %sign3A_182, %sign3A_185 : i32
      %ne3A_187 = arith.cmpi ne, %sign3A_179, %sign3A_186 : i32
      %rem3A_188 = arith.remsi %add3A_170, %jit3A_171 : i32
      %ne3A_189 = arith.constant 0 : i32
      %ne3A_190 = arith.cmpi ne, %rem3A_188, %ne3A_189 : i32
      %and3A_191 = arith.andi %ne3A_187, %ne3A_190 : i1
      %sub3A_192 = arith.constant 1 : i32
      %sub3A_193 = arith.subi %div3A_172, %sub3A_192 : i32
      %select_n3A_194 = arith.select %and3A_191, %sub3A_193, %div3A_172 : i32
      %add3A_195 = arith.addi %mul3A_2, %select_n3A_194 : i32
      %jit3A_196 = arith.constant 1 : i32
      %eq3A_197 = arith.constant 0 : i32
      %eq3A_198 = arith.cmpi eq, %jit3A_196, %eq3A_197 : i32
      %jit3A_199 = arith.constant 1 : i32
      %select_n3A_200 = arith.select %eq3A_198, %jit3A_199, %jit3A_196 : i32
      %rem3A_201 = arith.remsi %add3A_170, %select_n3A_200 : i32
      %ne3A_202 = arith.constant 0 : i32
      %ne3A_203 = arith.cmpi ne, %rem3A_201, %ne3A_202 : i32
      %lt3A_204 = arith.constant 0 : i32
      %lt3A_205 = arith.cmpi slt, %rem3A_201, %lt3A_204 : i32
      %lt3A_206 = arith.constant 0 : i32
      %lt3A_207 = arith.cmpi slt, %select_n3A_200, %lt3A_206 : i32
      %ne3A_208 = arith.xori %lt3A_205, %lt3A_207 : i1
      %and3A_209 = arith.andi %ne3A_208, %ne3A_203 : i1
      %add3A_210 = arith.addi %rem3A_201, %select_n3A_200 : i32
      %select_n3A_211 = arith.select %and3A_209, %add3A_210, %rem3A_201 : i32
      %mul3A_212 = arith.constant 200 : i32
      %mul3A_213 = arith.muli %select_n3A_211, %mul3A_212 : i32
      %dma_wait3A_214 = arith.constant 0 : i32
      %dma_wait3A_215 = tpu.memref_slice %arg2[%add3A_195, %mul3A_213, %dma_wait3A_214] : memref<1024x200x128xf32, #tpu.memory_space<hbm>> -> memref<1x200x128xf32, #tpu.memory_space<hbm>>
      %dma_wait3A_216 = tpu.memref_squeeze %dma_wait3A_215 : memref<1x200x128xf32, #tpu.memory_space<hbm>> -> memref<200x128xf32, #tpu.memory_space<hbm>>
      %dma_wait3A_217 = arith.constant 0 : i32
      %dma_wait3A_218 = tpu.memref_slice %arg2[%add3A_195, %mul3A_213, %dma_wait3A_217] : memref<1024x200x128xf32, #tpu.memory_space<hbm>> -> memref<1x200x128xf32, #tpu.memory_space<hbm>>
      %dma_wait3A_219 = tpu.memref_squeeze %dma_wait3A_218 : memref<1x200x128xf32, #tpu.memory_space<hbm>> -> memref<200x128xf32, #tpu.memory_space<hbm>>
      tpu.wait_dma2 semaphore(%arg11 : memref<!tpu.dma_semaphore, #tpu.memory_space<semaphore_mem>>) src(%dma_wait3A_219 : memref<200x128xf32, #tpu.memory_space<hbm>>) dst(%arg7 : memref<200x128xf32, #tpu.memory_space<vmem>>)
      %jit3A_220 = arith.constant 1 : i32
      %eq3A_221 = arith.constant 0 : i32
      %eq3A_222 = arith.cmpi eq, %jit3A_220, %eq3A_221 : i32
      %jit3A_223 = arith.constant 1 : i32
      %select_n3A_224 = arith.select %eq3A_222, %jit3A_223, %jit3A_220 : i32
      %rem3A_225 = arith.remsi %add3A_170, %select_n3A_224 : i32
      %ne3A_226 = arith.constant 0 : i32
      %ne3A_227 = arith.cmpi ne, %rem3A_225, %ne3A_226 : i32
      %lt3A_228 = arith.constant 0 : i32
      %lt3A_229 = arith.cmpi slt, %rem3A_225, %lt3A_228 : i32
      %lt3A_230 = arith.constant 0 : i32
      %lt3A_231 = arith.cmpi slt, %select_n3A_224, %lt3A_230 : i32
      %ne3A_232 = arith.xori %lt3A_229, %lt3A_231 : i1
      %and3A_233 = arith.andi %ne3A_232, %ne3A_227 : i1
      %add3A_234 = arith.addi %rem3A_225, %select_n3A_224 : i32
      %select_n3A_235 = arith.select %and3A_233, %add3A_234, %rem3A_225 : i32
      %mul3A_236 = arith.constant 200 : i32
      %mul3A_237 = arith.muli %select_n3A_235, %mul3A_236 : i32
      %scan3A_238 = arith.constant 0 : i32
      %scan3A_239 = arith.constant 0 : i32
      %scan3A_240 = arith.constant 200 : i32
      %scan3A_241 = arith.addi %scan3A_239, %scan3A_240 : i32
      %scan3A_242 = arith.constant 2 : i32
      scf.for %scan3A_446 = %scan3A_239 to %scan3A_241 step %scan3A_242  : i32 {
        %add3A_447 = arith.addi %mul3A_237, %scan3A_446 : i32
        %get3A = arith.index_cast %add3A_447 : i32 to index
        %get3A_448 = arith.constant 0 : index
        %get3A_449 = tpu.vector_load %arg5[%get3A, %get3A_448] {strides = array<i32>} : memref<200x128xf32, #tpu.memory_space<vmem>>, vector<1x16xf32>,
        %get3A_450 = vector.shape_cast %get3A_449 : vector<1x16xf32> to vector<16xf32>
        %swap3A = arith.index_cast %scan3A_446 : i32 to index
        %swap3A_451 = arith.constant 0 : index
        %swap3A_452 = tpu.vector_load %arg7[%swap3A, %swap3A_451] {strides = array<i32>} : memref<200x128xf32, #tpu.memory_space<vmem>>, vector<1x16xf32>,
        %swap3A_453 = vector.shape_cast %swap3A_452 : vector<1x16xf32> to vector<16xf32>
        %swap3A_454 = vector.shape_cast %get3A_450 : vector<16xf32> to vector<1x16xf32>
        tpu.vector_store %arg7[%swap3A, %swap3A_451], %swap3A_454 {add = true, strides = array<i32>} : memref<200x128xf32, #tpu.memory_space<vmem>>, vector<1x16xf32>,
        %add3A_455 = arith.addi %mul3A_237, %scan3A_446 : i32
        %get3A_456 = arith.index_cast %add3A_455 : i32 to index
        %get3A_457 = arith.constant 16 : index
        %get3A_458 = tpu.vector_load %arg5[%get3A_456, %get3A_457] {strides = array<i32>} : memref<200x128xf32, #tpu.memory_space<vmem>>, vector<1x16xf32>,
        %get3A_459 = vector.shape_cast %get3A_458 : vector<1x16xf32> to vector<16xf32>
        %swap3A_460 = arith.index_cast %scan3A_446 : i32 to index
        %swap3A_461 = arith.constant 16 : index
        %swap3A_462 = tpu.vector_load %arg7[%swap3A_460, %swap3A_461] {strides = array<i32>} : memref<200x128xf32, #tpu.memory_space<vmem>>, vector<1x16xf32>,
        %swap3A_463 = vector.shape_cast %swap3A_462 : vector<1x16xf32> to vector<16xf32>
        %swap3A_464 = vector.shape_cast %get3A_459 : vector<16xf32> to vector<1x16xf32>
        tpu.vector_store %arg7[%swap3A_460, %swap3A_461], %swap3A_464 {add = true, strides = array<i32>} : memref<200x128xf32, #tpu.memory_space<vmem>>, vector<1x16xf32>,
        %add3A_465 = arith.addi %mul3A_237, %scan3A_446 : i32
        %get3A_466 = arith.index_cast %add3A_465 : i32 to index
        %get3A_467 = arith.constant 32 : index
        %get3A_468 = tpu.vector_load %arg5[%get3A_466, %get3A_467] {strides = array<i32>} : memref<200x128xf32, #tpu.memory_space<vmem>>, vector<1x16xf32>,
        %get3A_469 = vector.shape_cast %get3A_468 : vector<1x16xf32> to vector<16xf32>
        %swap3A_470 = arith.index_cast %scan3A_446 : i32 to index
        %swap3A_471 = arith.constant 32 : index
        %swap3A_472 = tpu.vector_load %arg7[%swap3A_470, %swap3A_471] {strides = array<i32>} : memref<200x128xf32, #tpu.memory_space<vmem>>, vector<1x16xf32>,
        %swap3A_473 = vector.shape_cast %swap3A_472 : vector<1x16xf32> to vector<16xf32>
        %swap3A_474 = vector.shape_cast %get3A_469 : vector<16xf32> to vector<1x16xf32>
        tpu.vector_store %arg7[%swap3A_470, %swap3A_471], %swap3A_474 {add = true, strides = array<i32>} : memref<200x128xf32, #tpu.memory_space<vmem>>, vector<1x16xf32>,
        %add3A_475 = arith.addi %mul3A_237, %scan3A_446 : i32
        %get3A_476 = arith.index_cast %add3A_475 : i32 to index
        %get3A_477 = arith.constant 48 : index
        %get3A_478 = tpu.vector_load %arg5[%get3A_476, %get3A_477] {strides = array<i32>} : memref<200x128xf32, #tpu.memory_space<vmem>>, vector<1x16xf32>,
        %get3A_479 = vector.shape_cast %get3A_478 : vector<1x16xf32> to vector<16xf32>
        %swap3A_480 = arith.index_cast %scan3A_446 : i32 to index
        %swap3A_481 = arith.constant 48 : index
        %swap3A_482 = tpu.vector_load %arg7[%swap3A_480, %swap3A_481] {strides = array<i32>} : memref<200x128xf32, #tpu.memory_space<vmem>>, vector<1x16xf32>,
        %swap3A_483 = vector.shape_cast %swap3A_482 : vector<1x16xf32> to vector<16xf32>
        %swap3A_484 = vector.shape_cast %get3A_479 : vector<16xf32> to vector<1x16xf32>
        tpu.vector_store %arg7[%swap3A_480, %swap3A_481], %swap3A_484 {add = true, strides = array<i32>} : memref<200x128xf32, #tpu.memory_space<vmem>>, vector<1x16xf32>,
        %add3A_485 = arith.addi %mul3A_237, %scan3A_446 : i32
        %get3A_486 = arith.index_cast %add3A_485 : i32 to index
        %get3A_487 = arith.constant 64 : index
        %get3A_488 = tpu.vector_load %arg5[%get3A_486, %get3A_487] {strides = array<i32>} : memref<200x128xf32, #tpu.memory_space<vmem>>, vector<1x16xf32>,
        %get3A_489 = vector.shape_cast %get3A_488 : vector<1x16xf32> to vector<16xf32>
        %swap3A_490 = arith.index_cast %scan3A_446 : i32 to index
        %swap3A_491 = arith.constant 64 : index
        %swap3A_492 = tpu.vector_load %arg7[%swap3A_490, %swap3A_491] {strides = array<i32>} : memref<200x128xf32, #tpu.memory_space<vmem>>, vector<1x16xf32>,
        %swap3A_493 = vector.shape_cast %swap3A_492 : vector<1x16xf32> to vector<16xf32>
        %swap3A_494 = vector.shape_cast %get3A_489 : vector<16xf32> to vector<1x16xf32>
        tpu.vector_store %arg7[%swap3A_490, %swap3A_491], %swap3A_494 {add = true, strides = array<i32>} : memref<200x128xf32, #tpu.memory_space<vmem>>, vector<1x16xf32>,
        %add3A_495 = arith.addi %mul3A_237, %scan3A_446 : i32
        %get3A_496 = arith.index_cast %add3A_495 : i32 to index
        %get3A_497 = arith.constant 80 : index
        %get3A_498 = tpu.vector_load %arg5[%get3A_496, %get3A_497] {strides = array<i32>} : memref<200x128xf32, #tpu.memory_space<vmem>>, vector<1x16xf32>,
        %get3A_499 = vector.shape_cast %get3A_498 : vector<1x16xf32> to vector<16xf32>
        %swap3A_500 = arith.index_cast %scan3A_446 : i32 to index
        %swap3A_501 = arith.constant 80 : index
        %swap3A_502 = tpu.vector_load %arg7[%swap3A_500, %swap3A_501] {strides = array<i32>} : memref<200x128xf32, #tpu.memory_space<vmem>>, vector<1x16xf32>,
        %swap3A_503 = vector.shape_cast %swap3A_502 : vector<1x16xf32> to vector<16xf32>
        %swap3A_504 = vector.shape_cast %get3A_499 : vector<16xf32> to vector<1x16xf32>
        tpu.vector_store %arg7[%swap3A_500, %swap3A_501], %swap3A_504 {add = true, strides = array<i32>} : memref<200x128xf32, #tpu.memory_space<vmem>>, vector<1x16xf32>,
        %add3A_505 = arith.addi %mul3A_237, %scan3A_446 : i32
        %get3A_506 = arith.index_cast %add3A_505 : i32 to index
        %get3A_507 = arith.constant 96 : index
        %get3A_508 = tpu.vector_load %arg5[%get3A_506, %get3A_507] {strides = array<i32>} : memref<200x128xf32, #tpu.memory_space<vmem>>, vector<1x16xf32>,
        %get3A_509 = vector.shape_cast %get3A_508 : vector<1x16xf32> to vector<16xf32>
        %swap3A_510 = arith.index_cast %scan3A_446 : i32 to index
        %swap3A_511 = arith.constant 96 : index
        %swap3A_512 = tpu.vector_load %arg7[%swap3A_510, %swap3A_511] {strides = array<i32>} : memref<200x128xf32, #tpu.memory_space<vmem>>, vector<1x16xf32>,
        %swap3A_513 = vector.shape_cast %swap3A_512 : vector<1x16xf32> to vector<16xf32>
        %swap3A_514 = vector.shape_cast %get3A_509 : vector<16xf32> to vector<1x16xf32>
        tpu.vector_store %arg7[%swap3A_510, %swap3A_511], %swap3A_514 {add = true, strides = array<i32>} : memref<200x128xf32, #tpu.memory_space<vmem>>, vector<1x16xf32>,
        %add3A_515 = arith.addi %mul3A_237, %scan3A_446 : i32
        %get3A_516 = arith.index_cast %add3A_515 : i32 to index
        %get3A_517 = arith.constant 112 : index
        %get3A_518 = tpu.vector_load %arg5[%get3A_516, %get3A_517] {strides = array<i32>} : memref<200x128xf32, #tpu.memory_space<vmem>>, vector<1x16xf32>,
        %get3A_519 = vector.shape_cast %get3A_518 : vector<1x16xf32> to vector<16xf32>
        %swap3A_520 = arith.index_cast %scan3A_446 : i32 to index
        %swap3A_521 = arith.constant 112 : index
        %swap3A_522 = tpu.vector_load %arg7[%swap3A_520, %swap3A_521] {strides = array<i32>} : memref<200x128xf32, #tpu.memory_space<vmem>>, vector<1x16xf32>,
        %swap3A_523 = vector.shape_cast %swap3A_522 : vector<1x16xf32> to vector<16xf32>
        %swap3A_524 = vector.shape_cast %get3A_519 : vector<16xf32> to vector<1x16xf32>
        tpu.vector_store %arg7[%swap3A_520, %swap3A_521], %swap3A_524 {add = true, strides = array<i32>} : memref<200x128xf32, #tpu.memory_space<vmem>>, vector<1x16xf32>,
        %scan3A_525 = arith.constant 1 : i32
        %scan3A_526 = arith.addi %scan3A_446, %scan3A_525 : i32
        %add3A_527 = arith.addi %mul3A_237, %scan3A_526 : i32
        %get3A_528 = arith.index_cast %add3A_527 : i32 to index
        %get3A_529 = arith.constant 0 : index
        %get3A_530 = tpu.vector_load %arg5[%get3A_528, %get3A_529] {strides = array<i32>} : memref<200x128xf32, #tpu.memory_space<vmem>>, vector<1x16xf32>,
        %get3A_531 = vector.shape_cast %get3A_530 : vector<1x16xf32> to vector<16xf32>
        %swap3A_532 = arith.index_cast %scan3A_526 : i32 to index
        %swap3A_533 = arith.constant 0 : index
        %swap3A_534 = tpu.vector_load %arg7[%swap3A_532, %swap3A_533] {strides = array<i32>} : memref<200x128xf32, #tpu.memory_space<vmem>>, vector<1x16xf32>,
        %swap3A_535 = vector.shape_cast %swap3A_534 : vector<1x16xf32> to vector<16xf32>
        %swap3A_536 = vector.shape_cast %get3A_531 : vector<16xf32> to vector<1x16xf32>
        tpu.vector_store %arg7[%swap3A_532, %swap3A_533], %swap3A_536 {add = true, strides = array<i32>} : memref<200x128xf32, #tpu.memory_space<vmem>>, vector<1x16xf32>,
        %add3A_537 = arith.addi %mul3A_237, %scan3A_526 : i32
        %get3A_538 = arith.index_cast %add3A_537 : i32 to index
        %get3A_539 = arith.constant 16 : index
        %get3A_540 = tpu.vector_load %arg5[%get3A_538, %get3A_539] {strides = array<i32>} : memref<200x128xf32, #tpu.memory_space<vmem>>, vector<1x16xf32>,
        %get3A_541 = vector.shape_cast %get3A_540 : vector<1x16xf32> to vector<16xf32>
        %swap3A_542 = arith.index_cast %scan3A_526 : i32 to index
        %swap3A_543 = arith.constant 16 : index
        %swap3A_544 = tpu.vector_load %arg7[%swap3A_542, %swap3A_543] {strides = array<i32>} : memref<200x128xf32, #tpu.memory_space<vmem>>, vector<1x16xf32>,
        %swap3A_545 = vector.shape_cast %swap3A_544 : vector<1x16xf32> to vector<16xf32>
        %swap3A_546 = vector.shape_cast %get3A_541 : vector<16xf32> to vector<1x16xf32>
        tpu.vector_store %arg7[%swap3A_542, %swap3A_543], %swap3A_546 {add = true, strides = array<i32>} : memref<200x128xf32, #tpu.memory_space<vmem>>, vector<1x16xf32>,
        %add3A_547 = arith.addi %mul3A_237, %scan3A_526 : i32
        %get3A_548 = arith.index_cast %add3A_547 : i32 to index
        %get3A_549 = arith.constant 32 : index
        %get3A_550 = tpu.vector_load %arg5[%get3A_548, %get3A_549] {strides = array<i32>} : memref<200x128xf32, #tpu.memory_space<vmem>>, vector<1x16xf32>,
        %get3A_551 = vector.shape_cast %get3A_550 : vector<1x16xf32> to vector<16xf32>
        %swap3A_552 = arith.index_cast %scan3A_526 : i32 to index
        %swap3A_553 = arith.constant 32 : index
        %swap3A_554 = tpu.vector_load %arg7[%swap3A_552, %swap3A_553] {strides = array<i32>} : memref<200x128xf32, #tpu.memory_space<vmem>>, vector<1x16xf32>,
        %swap3A_555 = vector.shape_cast %swap3A_554 : vector<1x16xf32> to vector<16xf32>
        %swap3A_556 = vector.shape_cast %get3A_551 : vector<16xf32> to vector<1x16xf32>
        tpu.vector_store %arg7[%swap3A_552, %swap3A_553], %swap3A_556 {add = true, strides = array<i32>} : memref<200x128xf32, #tpu.memory_space<vmem>>, vector<1x16xf32>,
        %add3A_557 = arith.addi %mul3A_237, %scan3A_526 : i32
        %get3A_558 = arith.index_cast %add3A_557 : i32 to index
        %get3A_559 = arith.constant 48 : index
        %get3A_560 = tpu.vector_load %arg5[%get3A_558, %get3A_559] {strides = array<i32>} : memref<200x128xf32, #tpu.memory_space<vmem>>, vector<1x16xf32>,
        %get3A_561 = vector.shape_cast %get3A_560 : vector<1x16xf32> to vector<16xf32>
        %swap3A_562 = arith.index_cast %scan3A_526 : i32 to index
        %swap3A_563 = arith.constant 48 : index
        %swap3A_564 = tpu.vector_load %arg7[%swap3A_562, %swap3A_563] {strides = array<i32>} : memref<200x128xf32, #tpu.memory_space<vmem>>, vector<1x16xf32>,
        %swap3A_565 = vector.shape_cast %swap3A_564 : vector<1x16xf32> to vector<16xf32>
        %swap3A_566 = vector.shape_cast %get3A_561 : vector<16xf32> to vector<1x16xf32>
        tpu.vector_store %arg7[%swap3A_562, %swap3A_563], %swap3A_566 {add = true, strides = array<i32>} : memref<200x128xf32, #tpu.memory_space<vmem>>, vector<1x16xf32>,
        %add3A_567 = arith.addi %mul3A_237, %scan3A_526 : i32
        %get3A_568 = arith.index_cast %add3A_567 : i32 to index
        %get3A_569 = arith.constant 64 : index
        %get3A_570 = tpu.vector_load %arg5[%get3A_568, %get3A_569] {strides = array<i32>} : memref<200x128xf32, #tpu.memory_space<vmem>>, vector<1x16xf32>,
        %get3A_571 = vector.shape_cast %get3A_570 : vector<1x16xf32> to vector<16xf32>
        %swap3A_572 = arith.index_cast %scan3A_526 : i32 to index
        %swap3A_573 = arith.constant 64 : index
        %swap3A_574 = tpu.vector_load %arg7[%swap3A_572, %swap3A_573] {strides = array<i32>} : memref<200x128xf32, #tpu.memory_space<vmem>>, vector<1x16xf32>,
        %swap3A_575 = vector.shape_cast %swap3A_574 : vector<1x16xf32> to vector<16xf32>
        %swap3A_576 = vector.shape_cast %get3A_571 : vector<16xf32> to vector<1x16xf32>
        tpu.vector_store %arg7[%swap3A_572, %swap3A_573], %swap3A_576 {add = true, strides = array<i32>} : memref<200x128xf32, #tpu.memory_space<vmem>>, vector<1x16xf32>,
        %add3A_577 = arith.addi %mul3A_237, %scan3A_526 : i32
        %get3A_578 = arith.index_cast %add3A_577 : i32 to index
        %get3A_579 = arith.constant 80 : index
        %get3A_580 = tpu.vector_load %arg5[%get3A_578, %get3A_579] {strides = array<i32>} : memref<200x128xf32, #tpu.memory_space<vmem>>, vector<1x16xf32>,
        %get3A_581 = vector.shape_cast %get3A_580 : vector<1x16xf32> to vector<16xf32>
        %swap3A_582 = arith.index_cast %scan3A_526 : i32 to index
        %swap3A_583 = arith.constant 80 : index
        %swap3A_584 = tpu.vector_load %arg7[%swap3A_582, %swap3A_583] {strides = array<i32>} : memref<200x128xf32, #tpu.memory_space<vmem>>, vector<1x16xf32>,
        %swap3A_585 = vector.shape_cast %swap3A_584 : vector<1x16xf32> to vector<16xf32>
        %swap3A_586 = vector.shape_cast %get3A_581 : vector<16xf32> to vector<1x16xf32>
        tpu.vector_store %arg7[%swap3A_582, %swap3A_583], %swap3A_586 {add = true, strides = array<i32>} : memref<200x128xf32, #tpu.memory_space<vmem>>, vector<1x16xf32>,
        %add3A_587 = arith.addi %mul3A_237, %scan3A_526 : i32
        %get3A_588 = arith.index_cast %add3A_587 : i32 to index
        %get3A_589 = arith.constant 96 : index
        %get3A_590 = tpu.vector_load %arg5[%get3A_588, %get3A_589] {strides = array<i32>} : memref<200x128xf32, #tpu.memory_space<vmem>>, vector<1x16xf32>,
        %get3A_591 = vector.shape_cast %get3A_590 : vector<1x16xf32> to vector<16xf32>
        %swap3A_592 = arith.index_cast %scan3A_526 : i32 to index
        %swap3A_593 = arith.constant 96 : index
        %swap3A_594 = tpu.vector_load %arg7[%swap3A_592, %swap3A_593] {strides = array<i32>} : memref<200x128xf32, #tpu.memory_space<vmem>>, vector<1x16xf32>,
        %swap3A_595 = vector.shape_cast %swap3A_594 : vector<1x16xf32> to vector<16xf32>
        %swap3A_596 = vector.shape_cast %get3A_591 : vector<16xf32> to vector<1x16xf32>
        tpu.vector_store %arg7[%swap3A_592, %swap3A_593], %swap3A_596 {add = true, strides = array<i32>} : memref<200x128xf32, #tpu.memory_space<vmem>>, vector<1x16xf32>,
        %add3A_597 = arith.addi %mul3A_237, %scan3A_526 : i32
        %get3A_598 = arith.index_cast %add3A_597 : i32 to index
        %get3A_599 = arith.constant 112 : index
        %get3A_600 = tpu.vector_load %arg5[%get3A_598, %get3A_599] {strides = array<i32>} : memref<200x128xf32, #tpu.memory_space<vmem>>, vector<1x16xf32>,
        %get3A_601 = vector.shape_cast %get3A_600 : vector<1x16xf32> to vector<16xf32>
        %swap3A_602 = arith.index_cast %scan3A_526 : i32 to index
        %swap3A_603 = arith.constant 112 : index
        %swap3A_604 = tpu.vector_load %arg7[%swap3A_602, %swap3A_603] {strides = array<i32>} : memref<200x128xf32, #tpu.memory_space<vmem>>, vector<1x16xf32>,
        %swap3A_605 = vector.shape_cast %swap3A_604 : vector<1x16xf32> to vector<16xf32>
        %swap3A_606 = vector.shape_cast %get3A_601 : vector<16xf32> to vector<1x16xf32>
        tpu.vector_store %arg7[%swap3A_602, %swap3A_603], %swap3A_606 {add = true, strides = array<i32>} : memref<200x128xf32, #tpu.memory_space<vmem>>, vector<1x16xf32>,
      }
      %scan3A_243 = arith.constant 200 : i32
      %dma_start3A_244 = arith.constant 0 : i32
      %dma_start3A_245 = tpu.memref_slice %arg4[%add3A_195, %mul3A_213, %dma_start3A_244] : memref<1024x200x128xf32, #tpu.memory_space<hbm>> -> memref<1x200x128xf32, #tpu.memory_space<hbm>>
      %dma_start3A_246 = tpu.memref_squeeze %dma_start3A_245 : memref<1x200x128xf32, #tpu.memory_space<hbm>> -> memref<200x128xf32, #tpu.memory_space<hbm>>
      %dma_start3A_247 = arith.constant 0 : i32
      %dma_start3A_248 = tpu.memref_slice %arg4[%add3A_195, %mul3A_213, %dma_start3A_247] : memref<1024x200x128xf32, #tpu.memory_space<hbm>> -> memref<1x200x128xf32, #tpu.memory_space<hbm>>
      %dma_start3A_249 = tpu.memref_squeeze %dma_start3A_248 : memref<1x200x128xf32, #tpu.memory_space<hbm>> -> memref<200x128xf32, #tpu.memory_space<hbm>>
      tpu.enqueue_dma source(%arg7 : memref<200x128xf32, #tpu.memory_space<vmem>>) target(%dma_start3A_249 : memref<200x128xf32, #tpu.memory_space<hbm>>) target_semaphore(%arg15 : memref<!tpu.dma_semaphore, #tpu.memory_space<semaphore_mem>>)
      %add3A_250 = arith.constant 2 : i32
      %add3A_251 = arith.addi %add3A_170, %add3A_250 : i32
      %ge3A_252 = arith.constant 4 : i32
      %ge3A_253 = arith.cmpi sge, %add3A_251, %ge3A_252 : i32
      %lt3A_254 = arith.constant 32 : i32
      %lt3A_255 = arith.cmpi slt, %add3A_251, %lt3A_254 : i32
      %and3A_256 = arith.andi %ge3A_253, %lt3A_255 : i1
      %convert_element_type3A_257 = arith.extui %and3A_256 : i1 to i32
      %cond3A_258 = arith.constant 0 : i32
      %cond3A_259 = arith.cmpi ne, %convert_element_type3A_257, %cond3A_258 : i32
      scf.if %cond3A_259 {
        %sub3A_446 = arith.constant 4 : i32
        %sub3A_447 = arith.subi %add3A_251, %sub3A_446 : i32
        %jit3A_448 = arith.constant 1 : i32
        %div3A_449 = arith.divsi %sub3A_447, %jit3A_448 : i32
        %sign3A_450 = arith.constant 0 : i32
        %sign3A_451 = arith.cmpi sgt, %sub3A_447, %sign3A_450 : i32
        %sign3A_452 = arith.extui %sign3A_451 : i1 to i32
        %sign3A_453 = arith.constant 0 : i32
        %sign3A_454 = arith.cmpi slt, %sub3A_447, %sign3A_453 : i32
        %sign3A_455 = arith.extui %sign3A_454 : i1 to i32
        %sign3A_456 = arith.subi %sign3A_452, %sign3A_455 : i32
        %sign3A_457 = arith.constant 0 : i32
        %sign3A_458 = arith.cmpi sgt, %jit3A_448, %sign3A_457 : i32
        %sign3A_459 = arith.extui %sign3A_458 : i1 to i32
        %sign3A_460 = arith.constant 0 : i32
        %sign3A_461 = arith.cmpi slt, %jit3A_448, %sign3A_460 : i32
        %sign3A_462 = arith.extui %sign3A_461 : i1 to i32
        %sign3A_463 = arith.subi %sign3A_459, %sign3A_462 : i32
        %ne3A_464 = arith.cmpi ne, %sign3A_456, %sign3A_463 : i32
        %rem3A_465 = arith.remsi %sub3A_447, %jit3A_448 : i32
        %ne3A_466 = arith.constant 0 : i32
        %ne3A_467 = arith.cmpi ne, %rem3A_465, %ne3A_466 : i32
        %and3A_468 = arith.andi %ne3A_464, %ne3A_467 : i1
        %sub3A_469 = arith.constant 1 : i32
        %sub3A_470 = arith.subi %div3A_449, %sub3A_469 : i32
        %select_n3A_471 = arith.select %and3A_468, %sub3A_470, %div3A_449 : i32
        %add3A_472 = arith.addi %mul3A_2, %select_n3A_471 : i32
        %jit3A_473 = arith.constant 1 : i32
        %eq3A_474 = arith.constant 0 : i32
        %eq3A_475 = arith.cmpi eq, %jit3A_473, %eq3A_474 : i32
        %jit3A_476 = arith.constant 1 : i32
        %select_n3A_477 = arith.select %eq3A_475, %jit3A_476, %jit3A_473 : i32
        %rem3A_478 = arith.remsi %sub3A_447, %select_n3A_477 : i32
        %ne3A_479 = arith.constant 0 : i32
        %ne3A_480 = arith.cmpi ne, %rem3A_478, %ne3A_479 : i32
        %lt3A_481 = arith.constant 0 : i32
        %lt3A_482 = arith.cmpi slt, %rem3A_478, %lt3A_481 : i32
        %lt3A_483 = arith.constant 0 : i32
        %lt3A_484 = arith.cmpi slt, %select_n3A_477, %lt3A_483 : i32
        %ne3A_485 = arith.xori %lt3A_482, %lt3A_484 : i1
        %and3A_486 = arith.andi %ne3A_485, %ne3A_480 : i1
        %add3A_487 = arith.addi %rem3A_478, %select_n3A_477 : i32
        %select_n3A_488 = arith.select %and3A_486, %add3A_487, %rem3A_478 : i32
        %mul3A_489 = arith.constant 200 : i32
        %mul3A_490 = arith.muli %select_n3A_488, %mul3A_489 : i32
        %dma_wait3A_491 = arith.constant 0 : i32
        %dma_wait3A_492 = tpu.memref_slice %arg4[%add3A_472, %mul3A_490, %dma_wait3A_491] : memref<1024x200x128xf32, #tpu.memory_space<hbm>> -> memref<1x200x128xf32, #tpu.memory_space<hbm>>
        %dma_wait3A_493 = tpu.memref_squeeze %dma_wait3A_492 : memref<1x200x128xf32, #tpu.memory_space<hbm>> -> memref<200x128xf32, #tpu.memory_space<hbm>>
        %dma_wait3A_494 = arith.constant 0 : i32
        %dma_wait3A_495 = tpu.memref_slice %arg4[%add3A_472, %mul3A_490, %dma_wait3A_494] : memref<1024x200x128xf32, #tpu.memory_space<hbm>> -> memref<1x200x128xf32, #tpu.memory_space<hbm>>
        %dma_wait3A_496 = tpu.memref_squeeze %dma_wait3A_495 : memref<1x200x128xf32, #tpu.memory_space<hbm>> -> memref<200x128xf32, #tpu.memory_space<hbm>>
        tpu.wait_dma2 semaphore(%arg17 : memref<!tpu.dma_semaphore, #tpu.memory_space<semaphore_mem>>) src(%arg9 : memref<200x128xf32, #tpu.memory_space<vmem>>) dst(%dma_wait3A_496 : memref<200x128xf32, #tpu.memory_space<hbm>>)
        %jit3A_497 = arith.constant 1 : i32
        %div3A_498 = arith.divsi %add3A_251, %jit3A_497 : i32
        %sign3A_499 = arith.constant 0 : i32
        %sign3A_500 = arith.cmpi sgt, %add3A_251, %sign3A_499 : i32
        %sign3A_501 = arith.extui %sign3A_500 : i1 to i32
        %sign3A_502 = arith.constant 0 : i32
        %sign3A_503 = arith.cmpi slt, %add3A_251, %sign3A_502 : i32
        %sign3A_504 = arith.extui %sign3A_503 : i1 to i32
        %sign3A_505 = arith.subi %sign3A_501, %sign3A_504 : i32
        %sign3A_506 = arith.constant 0 : i32
        %sign3A_507 = arith.cmpi sgt, %jit3A_497, %sign3A_506 : i32
        %sign3A_508 = arith.extui %sign3A_507 : i1 to i32
        %sign3A_509 = arith.constant 0 : i32
        %sign3A_510 = arith.cmpi slt, %jit3A_497, %sign3A_509 : i32
        %sign3A_511 = arith.extui %sign3A_510 : i1 to i32
        %sign3A_512 = arith.subi %sign3A_508, %sign3A_511 : i32
        %ne3A_513 = arith.cmpi ne, %sign3A_505, %sign3A_512 : i32
        %rem3A_514 = arith.remsi %add3A_251, %jit3A_497 : i32
        %ne3A_515 = arith.constant 0 : i32
        %ne3A_516 = arith.cmpi ne, %rem3A_514, %ne3A_515 : i32
        %and3A_517 = arith.andi %ne3A_513, %ne3A_516 : i1
        %sub3A_518 = arith.constant 1 : i32
        %sub3A_519 = arith.subi %div3A_498, %sub3A_518 : i32
        %select_n3A_520 = arith.select %and3A_517, %sub3A_519, %div3A_498 : i32
        %add3A_521 = arith.addi %mul3A_2, %select_n3A_520 : i32
        %jit3A_522 = arith.constant 1 : i32
        %eq3A_523 = arith.constant 0 : i32
        %eq3A_524 = arith.cmpi eq, %jit3A_522, %eq3A_523 : i32
        %jit3A_525 = arith.constant 1 : i32
        %select_n3A_526 = arith.select %eq3A_524, %jit3A_525, %jit3A_522 : i32
        %rem3A_527 = arith.remsi %add3A_251, %select_n3A_526 : i32
        %ne3A_528 = arith.constant 0 : i32
        %ne3A_529 = arith.cmpi ne, %rem3A_527, %ne3A_528 : i32
        %lt3A_530 = arith.constant 0 : i32
        %lt3A_531 = arith.cmpi slt, %rem3A_527, %lt3A_530 : i32
        %lt3A_532 = arith.constant 0 : i32
        %lt3A_533 = arith.cmpi slt, %select_n3A_526, %lt3A_532 : i32
        %ne3A_534 = arith.xori %lt3A_531, %lt3A_533 : i1
        %and3A_535 = arith.andi %ne3A_534, %ne3A_529 : i1
        %add3A_536 = arith.addi %rem3A_527, %select_n3A_526 : i32
        %select_n3A_537 = arith.select %and3A_535, %add3A_536, %rem3A_527 : i32
        %mul3A_538 = arith.constant 200 : i32
        %mul3A_539 = arith.muli %select_n3A_537, %mul3A_538 : i32
        %dma_start3A_540 = arith.constant 0 : i32
        %dma_start3A_541 = tpu.memref_slice %arg2[%add3A_521, %mul3A_539, %dma_start3A_540] : memref<1024x200x128xf32, #tpu.memory_space<hbm>> -> memref<1x200x128xf32, #tpu.memory_space<hbm>>
        %dma_start3A_542 = tpu.memref_squeeze %dma_start3A_541 : memref<1x200x128xf32, #tpu.memory_space<hbm>> -> memref<200x128xf32, #tpu.memory_space<hbm>>
        %dma_start3A_543 = arith.constant 0 : i32
        %dma_start3A_544 = tpu.memref_slice %arg2[%add3A_521, %mul3A_539, %dma_start3A_543] : memref<1024x200x128xf32, #tpu.memory_space<hbm>> -> memref<1x200x128xf32, #tpu.memory_space<hbm>>
        %dma_start3A_545 = tpu.memref_squeeze %dma_start3A_544 : memref<1x200x128xf32, #tpu.memory_space<hbm>> -> memref<200x128xf32, #tpu.memory_space<hbm>>
        tpu.enqueue_dma source(%dma_start3A_545 : memref<200x128xf32, #tpu.memory_space<hbm>>) target(%arg9 : memref<200x128xf32, #tpu.memory_space<vmem>>) target_semaphore(%arg13 : memref<!tpu.dma_semaphore, #tpu.memory_space<semaphore_mem>>)
      } else {
      }
      %mul3A_260 = arith.constant 4 : i32
      %mul3A_261 = arith.muli %scan3A_86, %mul3A_260 : i32
      %add3A_262 = arith.constant 2 : i32
      %add3A_263 = arith.addi %mul3A_261, %add3A_262 : i32
      %jit3A_264 = arith.constant 1 : i32
      %div3A_265 = arith.divsi %add3A_263, %jit3A_264 : i32
      %sign3A_266 = arith.constant 0 : i32
      %sign3A_267 = arith.cmpi sgt, %add3A_263, %sign3A_266 : i32
      %sign3A_268 = arith.extui %sign3A_267 : i1 to i32
      %sign3A_269 = arith.constant 0 : i32
      %sign3A_270 = arith.cmpi slt, %add3A_263, %sign3A_269 : i32
      %sign3A_271 = arith.extui %sign3A_270 : i1 to i32
      %sign3A_272 = arith.subi %sign3A_268, %sign3A_271 : i32
      %sign3A_273 = arith.constant 0 : i32
      %sign3A_274 = arith.cmpi sgt, %jit3A_264, %sign3A_273 : i32
      %sign3A_275 = arith.extui %sign3A_274 : i1 to i32
      %sign3A_276 = arith.constant 0 : i32
      %sign3A_277 = arith.cmpi slt, %jit3A_264, %sign3A_276 : i32
      %sign3A_278 = arith.extui %sign3A_277 : i1 to i32
      %sign3A_279 = arith.subi %sign3A_275, %sign3A_278 : i32
      %ne3A_280 = arith.cmpi ne, %sign3A_272, %sign3A_279 : i32
      %rem3A_281 = arith.remsi %add3A_263, %jit3A_264 : i32
      %ne3A_282 = arith.constant 0 : i32
      %ne3A_283 = arith.cmpi ne, %rem3A_281, %ne3A_282 : i32
      %and3A_284 = arith.andi %ne3A_280, %ne3A_283 : i1
      %sub3A_285 = arith.constant 1 : i32
      %sub3A_286 = arith.subi %div3A_265, %sub3A_285 : i32
      %select_n3A_287 = arith.select %and3A_284, %sub3A_286, %div3A_265 : i32
      %add3A_288 = arith.addi %mul3A_2, %select_n3A_287 : i32
      %jit3A_289 = arith.constant 1 : i32
      %eq3A_290 = arith.constant 0 : i32
      %eq3A_291 = arith.cmpi eq, %jit3A_289, %eq3A_290 : i32
      %jit3A_292 = arith.constant 1 : i32
      %select_n3A_293 = arith.select %eq3A_291, %jit3A_292, %jit3A_289 : i32
      %rem3A_294 = arith.remsi %add3A_263, %select_n3A_293 : i32
      %ne3A_295 = arith.constant 0 : i32
      %ne3A_296 = arith.cmpi ne, %rem3A_294, %ne3A_295 : i32
      %lt3A_297 = arith.constant 0 : i32
      %lt3A_298 = arith.cmpi slt, %rem3A_294, %lt3A_297 : i32
      %lt3A_299 = arith.constant 0 : i32
      %lt3A_300 = arith.cmpi slt, %select_n3A_293, %lt3A_299 : i32
      %ne3A_301 = arith.xori %lt3A_298, %lt3A_300 : i1
      %and3A_302 = arith.andi %ne3A_301, %ne3A_296 : i1
      %add3A_303 = arith.addi %rem3A_294, %select_n3A_293 : i32
      %select_n3A_304 = arith.select %and3A_302, %add3A_303, %rem3A_294 : i32
      %mul3A_305 = arith.constant 200 : i32
      %mul3A_306 = arith.muli %select_n3A_304, %mul3A_305 : i32
      %dma_wait3A_307 = arith.constant 0 : i32
      %dma_wait3A_308 = tpu.memref_slice %arg2[%add3A_288, %mul3A_306, %dma_wait3A_307] : memref<1024x200x128xf32, #tpu.memory_space<hbm>> -> memref<1x200x128xf32, #tpu.memory_space<hbm>>
      %dma_wait3A_309 = tpu.memref_squeeze %dma_wait3A_308 : memref<1x200x128xf32, #tpu.memory_space<hbm>> -> memref<200x128xf32, #tpu.memory_space<hbm>>
      %dma_wait3A_310 = arith.constant 0 : i32
      %dma_wait3A_311 = tpu.memref_slice %arg2[%add3A_288, %mul3A_306, %dma_wait3A_310] : memref<1024x200x128xf32, #tpu.memory_space<hbm>> -> memref<1x200x128xf32, #tpu.memory_space<hbm>>
      %dma_wait3A_312 = tpu.memref_squeeze %dma_wait3A_311 : memref<1x200x128xf32, #tpu.memory_space<hbm>> -> memref<200x128xf32, #tpu.memory_space<hbm>>
      tpu.wait_dma2 semaphore(%arg12 : memref<!tpu.dma_semaphore, #tpu.memory_space<semaphore_mem>>) src(%dma_wait3A_312 : memref<200x128xf32, #tpu.memory_space<hbm>>) dst(%arg8 : memref<200x128xf32, #tpu.memory_space<vmem>>)
      %jit3A_313 = arith.constant 1 : i32
      %eq3A_314 = arith.constant 0 : i32
      %eq3A_315 = arith.cmpi eq, %jit3A_313, %eq3A_314 : i32
      %jit3A_316 = arith.constant 1 : i32
      %select_n3A_317 = arith.select %eq3A_315, %jit3A_316, %jit3A_313 : i32
      %rem3A_318 = arith.remsi %add3A_263, %select_n3A_317 : i32
      %ne3A_319 = arith.constant 0 : i32
      %ne3A_320 = arith.cmpi ne, %rem3A_318, %ne3A_319 : i32
      %lt3A_321 = arith.constant 0 : i32
      %lt3A_322 = arith.cmpi slt, %rem3A_318, %lt3A_321 : i32
      %lt3A_323 = arith.constant 0 : i32
      %lt3A_324 = arith.cmpi slt, %select_n3A_317, %lt3A_323 : i32
      %ne3A_325 = arith.xori %lt3A_322, %lt3A_324 : i1
      %and3A_326 = arith.andi %ne3A_325, %ne3A_320 : i1
      %add3A_327 = arith.addi %rem3A_318, %select_n3A_317 : i32
      %select_n3A_328 = arith.select %and3A_326, %add3A_327, %rem3A_318 : i32
      %mul3A_329 = arith.constant 200 : i32
      %mul3A_330 = arith.muli %select_n3A_328, %mul3A_329 : i32
      %scan3A_331 = arith.constant 0 : i32
      %scan3A_332 = arith.constant 0 : i32
      %scan3A_333 = arith.constant 200 : i32
      %scan3A_334 = arith.addi %scan3A_332, %scan3A_333 : i32
      %scan3A_335 = arith.constant 2 : i32
      scf.for %scan3A_446 = %scan3A_332 to %scan3A_334 step %scan3A_335  : i32 {
        %add3A_447 = arith.addi %mul3A_330, %scan3A_446 : i32
        %get3A = arith.index_cast %add3A_447 : i32 to index
        %get3A_448 = arith.constant 0 : index
        %get3A_449 = tpu.vector_load %arg5[%get3A, %get3A_448] {strides = array<i32>} : memref<200x128xf32, #tpu.memory_space<vmem>>, vector<1x16xf32>,
        %get3A_450 = vector.shape_cast %get3A_449 : vector<1x16xf32> to vector<16xf32>
        %swap3A = arith.index_cast %scan3A_446 : i32 to index
        %swap3A_451 = arith.constant 0 : index
        %swap3A_452 = tpu.vector_load %arg8[%swap3A, %swap3A_451] {strides = array<i32>} : memref<200x128xf32, #tpu.memory_space<vmem>>, vector<1x16xf32>,
        %swap3A_453 = vector.shape_cast %swap3A_452 : vector<1x16xf32> to vector<16xf32>
        %swap3A_454 = vector.shape_cast %get3A_450 : vector<16xf32> to vector<1x16xf32>
        tpu.vector_store %arg8[%swap3A, %swap3A_451], %swap3A_454 {add = true, strides = array<i32>} : memref<200x128xf32, #tpu.memory_space<vmem>>, vector<1x16xf32>,
        %add3A_455 = arith.addi %mul3A_330, %scan3A_446 : i32
        %get3A_456 = arith.index_cast %add3A_455 : i32 to index
        %get3A_457 = arith.constant 16 : index
        %get3A_458 = tpu.vector_load %arg5[%get3A_456, %get3A_457] {strides = array<i32>} : memref<200x128xf32, #tpu.memory_space<vmem>>, vector<1x16xf32>,
        %get3A_459 = vector.shape_cast %get3A_458 : vector<1x16xf32> to vector<16xf32>
        %swap3A_460 = arith.index_cast %scan3A_446 : i32 to index
        %swap3A_461 = arith.constant 16 : index
        %swap3A_462 = tpu.vector_load %arg8[%swap3A_460, %swap3A_461] {strides = array<i32>} : memref<200x128xf32, #tpu.memory_space<vmem>>, vector<1x16xf32>,
        %swap3A_463 = vector.shape_cast %swap3A_462 : vector<1x16xf32> to vector<16xf32>
        %swap3A_464 = vector.shape_cast %get3A_459 : vector<16xf32> to vector<1x16xf32>
        tpu.vector_store %arg8[%swap3A_460, %swap3A_461], %swap3A_464 {add = true, strides = array<i32>} : memref<200x128xf32, #tpu.memory_space<vmem>>, vector<1x16xf32>,
        %add3A_465 = arith.addi %mul3A_330, %scan3A_446 : i32
        %get3A_466 = arith.index_cast %add3A_465 : i32 to index
        %get3A_467 = arith.constant 32 : index
        %get3A_468 = tpu.vector_load %arg5[%get3A_466, %get3A_467] {strides = array<i32>} : memref<200x128xf32, #tpu.memory_space<vmem>>, vector<1x16xf32>,
        %get3A_469 = vector.shape_cast %get3A_468 : vector<1x16xf32> to vector<16xf32>
        %swap3A_470 = arith.index_cast %scan3A_446 : i32 to index
        %swap3A_471 = arith.constant 32 : index
        %swap3A_472 = tpu.vector_load %arg8[%swap3A_470, %swap3A_471] {strides = array<i32>} : memref<200x128xf32, #tpu.memory_space<vmem>>, vector<1x16xf32>,
        %swap3A_473 = vector.shape_cast %swap3A_472 : vector<1x16xf32> to vector<16xf32>
        %swap3A_474 = vector.shape_cast %get3A_469 : vector<16xf32> to vector<1x16xf32>
        tpu.vector_store %arg8[%swap3A_470, %swap3A_471], %swap3A_474 {add = true, strides = array<i32>} : memref<200x128xf32, #tpu.memory_space<vmem>>, vector<1x16xf32>,
        %add3A_475 = arith.addi %mul3A_330, %scan3A_446 : i32
        %get3A_476 = arith.index_cast %add3A_475 : i32 to index
        %get3A_477 = arith.constant 48 : index
        %get3A_478 = tpu.vector_load %arg5[%get3A_476, %get3A_477] {strides = array<i32>} : memref<200x128xf32, #tpu.memory_space<vmem>>, vector<1x16xf32>,
        %get3A_479 = vector.shape_cast %get3A_478 : vector<1x16xf32> to vector<16xf32>
        %swap3A_480 = arith.index_cast %scan3A_446 : i32 to index
        %swap3A_481 = arith.constant 48 : index
        %swap3A_482 = tpu.vector_load %arg8[%swap3A_480, %swap3A_481] {strides = array<i32>} : memref<200x128xf32, #tpu.memory_space<vmem>>, vector<1x16xf32>,
        %swap3A_483 = vector.shape_cast %swap3A_482 : vector<1x16xf32> to vector<16xf32>
        %swap3A_484 = vector.shape_cast %get3A_479 : vector<16xf32> to vector<1x16xf32>
        tpu.vector_store %arg8[%swap3A_480, %swap3A_481], %swap3A_484 {add = true, strides = array<i32>} : memref<200x128xf32, #tpu.memory_space<vmem>>, vector<1x16xf32>,
        %add3A_485 = arith.addi %mul3A_330, %scan3A_446 : i32
        %get3A_486 = arith.index_cast %add3A_485 : i32 to index
        %get3A_487 = arith.constant 64 : index
        %get3A_488 = tpu.vector_load %arg5[%get3A_486, %get3A_487] {strides = array<i32>} : memref<200x128xf32, #tpu.memory_space<vmem>>, vector<1x16xf32>,
        %get3A_489 = vector.shape_cast %get3A_488 : vector<1x16xf32> to vector<16xf32>
        %swap3A_490 = arith.index_cast %scan3A_446 : i32 to index
        %swap3A_491 = arith.constant 64 : index
        %swap3A_492 = tpu.vector_load %arg8[%swap3A_490, %swap3A_491] {strides = array<i32>} : memref<200x128xf32, #tpu.memory_space<vmem>>, vector<1x16xf32>,
        %swap3A_493 = vector.shape_cast %swap3A_492 : vector<1x16xf32> to vector<16xf32>
        %swap3A_494 = vector.shape_cast %get3A_489 : vector<16xf32> to vector<1x16xf32>
        tpu.vector_store %arg8[%swap3A_490, %swap3A_491], %swap3A_494 {add = true, strides = array<i32>} : memref<200x128xf32, #tpu.memory_space<vmem>>, vector<1x16xf32>,
        %add3A_495 = arith.addi %mul3A_330, %scan3A_446 : i32
        %get3A_496 = arith.index_cast %add3A_495 : i32 to index
        %get3A_497 = arith.constant 80 : index
        %get3A_498 = tpu.vector_load %arg5[%get3A_496, %get3A_497] {strides = array<i32>} : memref<200x128xf32, #tpu.memory_space<vmem>>, vector<1x16xf32>,
        %get3A_499 = vector.shape_cast %get3A_498 : vector<1x16xf32> to vector<16xf32>
        %swap3A_500 = arith.index_cast %scan3A_446 : i32 to index
        %swap3A_501 = arith.constant 80 : index
        %swap3A_502 = tpu.vector_load %arg8[%swap3A_500, %swap3A_501] {strides = array<i32>} : memref<200x128xf32, #tpu.memory_space<vmem>>, vector<1x16xf32>,
        %swap3A_503 = vector.shape_cast %swap3A_502 : vector<1x16xf32> to vector<16xf32>
        %swap3A_504 = vector.shape_cast %get3A_499 : vector<16xf32> to vector<1x16xf32>
        tpu.vector_store %arg8[%swap3A_500, %swap3A_501], %swap3A_504 {add = true, strides = array<i32>} : memref<200x128xf32, #tpu.memory_space<vmem>>, vector<1x16xf32>,
        %add3A_505 = arith.addi %mul3A_330, %scan3A_446 : i32
        %get3A_506 = arith.index_cast %add3A_505 : i32 to index
        %get3A_507 = arith.constant 96 : index
        %get3A_508 = tpu.vector_load %arg5[%get3A_506, %get3A_507] {strides = array<i32>} : memref<200x128xf32, #tpu.memory_space<vmem>>, vector<1x16xf32>,
        %get3A_509 = vector.shape_cast %get3A_508 : vector<1x16xf32> to vector<16xf32>
        %swap3A_510 = arith.index_cast %scan3A_446 : i32 to index
        %swap3A_511 = arith.constant 96 : index
        %swap3A_512 = tpu.vector_load %arg8[%swap3A_510, %swap3A_511] {strides = array<i32>} : memref<200x128xf32, #tpu.memory_space<vmem>>, vector<1x16xf32>,
        %swap3A_513 = vector.shape_cast %swap3A_512 : vector<1x16xf32> to vector<16xf32>
        %swap3A_514 = vector.shape_cast %get3A_509 : vector<16xf32> to vector<1x16xf32>
        tpu.vector_store %arg8[%swap3A_510, %swap3A_511], %swap3A_514 {add = true, strides = array<i32>} : memref<200x128xf32, #tpu.memory_space<vmem>>, vector<1x16xf32>,
        %add3A_515 = arith.addi %mul3A_330, %scan3A_446 : i32
        %get3A_516 = arith.index_cast %add3A_515 : i32 to index
        %get3A_517 = arith.constant 112 : index
        %get3A_518 = tpu.vector_load %arg5[%get3A_516, %get3A_517] {strides = array<i32>} : memref<200x128xf32, #tpu.memory_space<vmem>>, vector<1x16xf32>,
        %get3A_519 = vector.shape_cast %get3A_518 : vector<1x16xf32> to vector<16xf32>
        %swap3A_520 = arith.index_cast %scan3A_446 : i32 to index
        %swap3A_521 = arith.constant 112 : index
        %swap3A_522 = tpu.vector_load %arg8[%swap3A_520, %swap3A_521] {strides = array<i32>} : memref<200x128xf32, #tpu.memory_space<vmem>>, vector<1x16xf32>,
        %swap3A_523 = vector.shape_cast %swap3A_522 : vector<1x16xf32> to vector<16xf32>
        %swap3A_524 = vector.shape_cast %get3A_519 : vector<16xf32> to vector<1x16xf32>
        tpu.vector_store %arg8[%swap3A_520, %swap3A_521], %swap3A_524 {add = true, strides = array<i32>} : memref<200x128xf32, #tpu.memory_space<vmem>>, vector<1x16xf32>,
        %scan3A_525 = arith.constant 1 : i32
        %scan3A_526 = arith.addi %scan3A_446, %scan3A_525 : i32
        %add3A_527 = arith.addi %mul3A_330, %scan3A_526 : i32
        %get3A_528 = arith.index_cast %add3A_527 : i32 to index
        %get3A_529 = arith.constant 0 : index
        %get3A_530 = tpu.vector_load %arg5[%get3A_528, %get3A_529] {strides = array<i32>} : memref<200x128xf32, #tpu.memory_space<vmem>>, vector<1x16xf32>,
        %get3A_531 = vector.shape_cast %get3A_530 : vector<1x16xf32> to vector<16xf32>
        %swap3A_532 = arith.index_cast %scan3A_526 : i32 to index
        %swap3A_533 = arith.constant 0 : index
        %swap3A_534 = tpu.vector_load %arg8[%swap3A_532, %swap3A_533] {strides = array<i32>} : memref<200x128xf32, #tpu.memory_space<vmem>>, vector<1x16xf32>,
        %swap3A_535 = vector.shape_cast %swap3A_534 : vector<1x16xf32> to vector<16xf32>
        %swap3A_536 = vector.shape_cast %get3A_531 : vector<16xf32> to vector<1x16xf32>
        tpu.vector_store %arg8[%swap3A_532, %swap3A_533], %swap3A_536 {add = true, strides = array<i32>} : memref<200x128xf32, #tpu.memory_space<vmem>>, vector<1x16xf32>,
        %add3A_537 = arith.addi %mul3A_330, %scan3A_526 : i32
        %get3A_538 = arith.index_cast %add3A_537 : i32 to index
        %get3A_539 = arith.constant 16 : index
        %get3A_540 = tpu.vector_load %arg5[%get3A_538, %get3A_539] {strides = array<i32>} : memref<200x128xf32, #tpu.memory_space<vmem>>, vector<1x16xf32>,
        %get3A_541 = vector.shape_cast %get3A_540 : vector<1x16xf32> to vector<16xf32>
        %swap3A_542 = arith.index_cast %scan3A_526 : i32 to index
        %swap3A_543 = arith.constant 16 : index
        %swap3A_544 = tpu.vector_load %arg8[%swap3A_542, %swap3A_543] {strides = array<i32>} : memref<200x128xf32, #tpu.memory_space<vmem>>, vector<1x16xf32>,
        %swap3A_545 = vector.shape_cast %swap3A_544 : vector<1x16xf32> to vector<16xf32>
        %swap3A_546 = vector.shape_cast %get3A_541 : vector<16xf32> to vector<1x16xf32>
        tpu.vector_store %arg8[%swap3A_542, %swap3A_543], %swap3A_546 {add = true, strides = array<i32>} : memref<200x128xf32, #tpu.memory_space<vmem>>, vector<1x16xf32>,
        %add3A_547 = arith.addi %mul3A_330, %scan3A_526 : i32
        %get3A_548 = arith.index_cast %add3A_547 : i32 to index
        %get3A_549 = arith.constant 32 : index
        %get3A_550 = tpu.vector_load %arg5[%get3A_548, %get3A_549] {strides = array<i32>} : memref<200x128xf32, #tpu.memory_space<vmem>>, vector<1x16xf32>,
        %get3A_551 = vector.shape_cast %get3A_550 : vector<1x16xf32> to vector<16xf32>
        %swap3A_552 = arith.index_cast %scan3A_526 : i32 to index
        %swap3A_553 = arith.constant 32 : index
        %swap3A_554 = tpu.vector_load %arg8[%swap3A_552, %swap3A_553] {strides = array<i32>} : memref<200x128xf32, #tpu.memory_space<vmem>>, vector<1x16xf32>,
        %swap3A_555 = vector.shape_cast %swap3A_554 : vector<1x16xf32> to vector<16xf32>
        %swap3A_556 = vector.shape_cast %get3A_551 : vector<16xf32> to vector<1x16xf32>
        tpu.vector_store %arg8[%swap3A_552, %swap3A_553], %swap3A_556 {add = true, strides = array<i32>} : memref<200x128xf32, #tpu.memory_space<vmem>>, vector<1x16xf32>,
        %add3A_557 = arith.addi %mul3A_330, %scan3A_526 : i32
        %get3A_558 = arith.index_cast %add3A_557 : i32 to index
        %get3A_559 = arith.constant 48 : index
        %get3A_560 = tpu.vector_load %arg5[%get3A_558, %get3A_559] {strides = array<i32>} : memref<200x128xf32, #tpu.memory_space<vmem>>, vector<1x16xf32>,
        %get3A_561 = vector.shape_cast %get3A_560 : vector<1x16xf32> to vector<16xf32>
        %swap3A_562 = arith.index_cast %scan3A_526 : i32 to index
        %swap3A_563 = arith.constant 48 : index
        %swap3A_564 = tpu.vector_load %arg8[%swap3A_562, %swap3A_563] {strides = array<i32>} : memref<200x128xf32, #tpu.memory_space<vmem>>, vector<1x16xf32>,
        %swap3A_565 = vector.shape_cast %swap3A_564 : vector<1x16xf32> to vector<16xf32>
        %swap3A_566 = vector.shape_cast %get3A_561 : vector<16xf32> to vector<1x16xf32>
        tpu.vector_store %arg8[%swap3A_562, %swap3A_563], %swap3A_566 {add = true, strides = array<i32>} : memref<200x128xf32, #tpu.memory_space<vmem>>, vector<1x16xf32>,
        %add3A_567 = arith.addi %mul3A_330, %scan3A_526 : i32
        %get3A_568 = arith.index_cast %add3A_567 : i32 to index
        %get3A_569 = arith.constant 64 : index
        %get3A_570 = tpu.vector_load %arg5[%get3A_568, %get3A_569] {strides = array<i32>} : memref<200x128xf32, #tpu.memory_space<vmem>>, vector<1x16xf32>,
        %get3A_571 = vector.shape_cast %get3A_570 : vector<1x16xf32> to vector<16xf32>
        %swap3A_572 = arith.index_cast %scan3A_526 : i32 to index
        %swap3A_573 = arith.constant 64 : index
        %swap3A_574 = tpu.vector_load %arg8[%swap3A_572, %swap3A_573] {strides = array<i32>} : memref<200x128xf32, #tpu.memory_space<vmem>>, vector<1x16xf32>,
        %swap3A_575 = vector.shape_cast %swap3A_574 : vector<1x16xf32> to vector<16xf32>
        %swap3A_576 = vector.shape_cast %get3A_571 : vector<16xf32> to vector<1x16xf32>
        tpu.vector_store %arg8[%swap3A_572, %swap3A_573], %swap3A_576 {add = true, strides = array<i32>} : memref<200x128xf32, #tpu.memory_space<vmem>>, vector<1x16xf32>,
        %add3A_577 = arith.addi %mul3A_330, %scan3A_526 : i32
        %get3A_578 = arith.index_cast %add3A_577 : i32 to index
        %get3A_579 = arith.constant 80 : index
        %get3A_580 = tpu.vector_load %arg5[%get3A_578, %get3A_579] {strides = array<i32>} : memref<200x128xf32, #tpu.memory_space<vmem>>, vector<1x16xf32>,
        %get3A_581 = vector.shape_cast %get3A_580 : vector<1x16xf32> to vector<16xf32>
        %swap3A_582 = arith.index_cast %scan3A_526 : i32 to index
        %swap3A_583 = arith.constant 80 : index
        %swap3A_584 = tpu.vector_load %arg8[%swap3A_582, %swap3A_583] {strides = array<i32>} : memref<200x128xf32, #tpu.memory_space<vmem>>, vector<1x16xf32>,
        %swap3A_585 = vector.shape_cast %swap3A_584 : vector<1x16xf32> to vector<16xf32>
        %swap3A_586 = vector.shape_cast %get3A_581 : vector<16xf32> to vector<1x16xf32>
        tpu.vector_store %arg8[%swap3A_582, %swap3A_583], %swap3A_586 {add = true, strides = array<i32>} : memref<200x128xf32, #tpu.memory_space<vmem>>, vector<1x16xf32>,
        %add3A_587 = arith.addi %mul3A_330, %scan3A_526 : i32
        %get3A_588 = arith.index_cast %add3A_587 : i32 to index
        %get3A_589 = arith.constant 96 : index
        %get3A_590 = tpu.vector_load %arg5[%get3A_588, %get3A_589] {strides = array<i32>} : memref<200x128xf32, #tpu.memory_space<vmem>>, vector<1x16xf32>,
        %get3A_591 = vector.shape_cast %get3A_590 : vector<1x16xf32> to vector<16xf32>
        %swap3A_592 = arith.index_cast %scan3A_526 : i32 to index
        %swap3A_593 = arith.constant 96 : index
        %swap3A_594 = tpu.vector_load %arg8[%swap3A_592, %swap3A_593] {strides = array<i32>} : memref<200x128xf32, #tpu.memory_space<vmem>>, vector<1x16xf32>,
        %swap3A_595 = vector.shape_cast %swap3A_594 : vector<1x16xf32> to vector<16xf32>
        %swap3A_596 = vector.shape_cast %get3A_591 : vector<16xf32> to vector<1x16xf32>
        tpu.vector_store %arg8[%swap3A_592, %swap3A_593], %swap3A_596 {add = true, strides = array<i32>} : memref<200x128xf32, #tpu.memory_space<vmem>>, vector<1x16xf32>,
        %add3A_597 = arith.addi %mul3A_330, %scan3A_526 : i32
        %get3A_598 = arith.index_cast %add3A_597 : i32 to index
        %get3A_599 = arith.constant 112 : index
        %get3A_600 = tpu.vector_load %arg5[%get3A_598, %get3A_599] {strides = array<i32>} : memref<200x128xf32, #tpu.memory_space<vmem>>, vector<1x16xf32>,
        %get3A_601 = vector.shape_cast %get3A_600 : vector<1x16xf32> to vector<16xf32>
        %swap3A_602 = arith.index_cast %scan3A_526 : i32 to index
        %swap3A_603 = arith.constant 112 : index
        %swap3A_604 = tpu.vector_load %arg8[%swap3A_602, %swap3A_603] {strides = array<i32>} : memref<200x128xf32, #tpu.memory_space<vmem>>, vector<1x16xf32>,
        %swap3A_605 = vector.shape_cast %swap3A_604 : vector<1x16xf32> to vector<16xf32>
        %swap3A_606 = vector.shape_cast %get3A_601 : vector<16xf32> to vector<1x16xf32>
        tpu.vector_store %arg8[%swap3A_602, %swap3A_603], %swap3A_606 {add = true, strides = array<i32>} : memref<200x128xf32, #tpu.memory_space<vmem>>, vector<1x16xf32>,
      }
      %scan3A_336 = arith.constant 200 : i32
      %dma_start3A_337 = arith.constant 0 : i32
      %dma_start3A_338 = tpu.memref_slice %arg4[%add3A_288, %mul3A_306, %dma_start3A_337] : memref<1024x200x128xf32, #tpu.memory_space<hbm>> -> memref<1x200x128xf32, #tpu.memory_space<hbm>>
      %dma_start3A_339 = tpu.memref_squeeze %dma_start3A_338 : memref<1x200x128xf32, #tpu.memory_space<hbm>> -> memref<200x128xf32, #tpu.memory_space<hbm>>
      %dma_start3A_340 = arith.constant 0 : i32
      %dma_start3A_341 = tpu.memref_slice %arg4[%add3A_288, %mul3A_306, %dma_start3A_340] : memref<1024x200x128xf32, #tpu.memory_space<hbm>> -> memref<1x200x128xf32, #tpu.memory_space<hbm>>
      %dma_start3A_342 = tpu.memref_squeeze %dma_start3A_341 : memref<1x200x128xf32, #tpu.memory_space<hbm>> -> memref<200x128xf32, #tpu.memory_space<hbm>>
      tpu.enqueue_dma source(%arg8 : memref<200x128xf32, #tpu.memory_space<vmem>>) target(%dma_start3A_342 : memref<200x128xf32, #tpu.memory_space<hbm>>) target_semaphore(%arg16 : memref<!tpu.dma_semaphore, #tpu.memory_space<semaphore_mem>>)
      %add3A_343 = arith.constant 2 : i32
      %add3A_344 = arith.addi %add3A_263, %add3A_343 : i32
      %ge3A_345 = arith.constant 4 : i32
      %ge3A_346 = arith.cmpi sge, %add3A_344, %ge3A_345 : i32
      %lt3A_347 = arith.constant 32 : i32
      %lt3A_348 = arith.cmpi slt, %add3A_344, %lt3A_347 : i32
      %and3A_349 = arith.andi %ge3A_346, %lt3A_348 : i1
      %convert_element_type3A_350 = arith.extui %and3A_349 : i1 to i32
      %cond3A_351 = arith.constant 0 : i32
      %cond3A_352 = arith.cmpi ne, %convert_element_type3A_350, %cond3A_351 : i32
      scf.if %cond3A_352 {
        %sub3A_446 = arith.constant 4 : i32
        %sub3A_447 = arith.subi %add3A_344, %sub3A_446 : i32
        %jit3A_448 = arith.constant 1 : i32
        %div3A_449 = arith.divsi %sub3A_447, %jit3A_448 : i32
        %sign3A_450 = arith.constant 0 : i32
        %sign3A_451 = arith.cmpi sgt, %sub3A_447, %sign3A_450 : i32
        %sign3A_452 = arith.extui %sign3A_451 : i1 to i32
        %sign3A_453 = arith.constant 0 : i32
        %sign3A_454 = arith.cmpi slt, %sub3A_447, %sign3A_453 : i32
        %sign3A_455 = arith.extui %sign3A_454 : i1 to i32
        %sign3A_456 = arith.subi %sign3A_452, %sign3A_455 : i32
        %sign3A_457 = arith.constant 0 : i32
        %sign3A_458 = arith.cmpi sgt, %jit3A_448, %sign3A_457 : i32
        %sign3A_459 = arith.extui %sign3A_458 : i1 to i32
        %sign3A_460 = arith.constant 0 : i32
        %sign3A_461 = arith.cmpi slt, %jit3A_448, %sign3A_460 : i32
        %sign3A_462 = arith.extui %sign3A_461 : i1 to i32
        %sign3A_463 = arith.subi %sign3A_459, %sign3A_462 : i32
        %ne3A_464 = arith.cmpi ne, %sign3A_456, %sign3A_463 : i32
        %rem3A_465 = arith.remsi %sub3A_447, %jit3A_448 : i32
        %ne3A_466 = arith.constant 0 : i32
        %ne3A_467 = arith.cmpi ne, %rem3A_465, %ne3A_466 : i32
        %and3A_468 = arith.andi %ne3A_464, %ne3A_467 : i1
        %sub3A_469 = arith.constant 1 : i32
        %sub3A_470 = arith.subi %div3A_449, %sub3A_469 : i32
        %select_n3A_471 = arith.select %and3A_468, %sub3A_470, %div3A_449 : i32
        %add3A_472 = arith.addi %mul3A_2, %select_n3A_471 : i32
        %jit3A_473 = arith.constant 1 : i32
        %eq3A_474 = arith.constant 0 : i32
        %eq3A_475 = arith.cmpi eq, %jit3A_473, %eq3A_474 : i32
        %jit3A_476 = arith.constant 1 : i32
        %select_n3A_477 = arith.select %eq3A_475, %jit3A_476, %jit3A_473 : i32
        %rem3A_478 = arith.remsi %sub3A_447, %select_n3A_477 : i32
        %ne3A_479 = arith.constant 0 : i32
        %ne3A_480 = arith.cmpi ne, %rem3A_478, %ne3A_479 : i32
        %lt3A_481 = arith.constant 0 : i32
        %lt3A_482 = arith.cmpi slt, %rem3A_478, %lt3A_481 : i32
        %lt3A_483 = arith.constant 0 : i32
        %lt3A_484 = arith.cmpi slt, %select_n3A_477, %lt3A_483 : i32
        %ne3A_485 = arith.xori %lt3A_482, %lt3A_484 : i1
        %and3A_486 = arith.andi %ne3A_485, %ne3A_480 : i1
        %add3A_487 = arith.addi %rem3A_478, %select_n3A_477 : i32
        %select_n3A_488 = arith.select %and3A_486, %add3A_487, %rem3A_478 : i32
        %mul3A_489 = arith.constant 200 : i32
        %mul3A_490 = arith.muli %select_n3A_488, %mul3A_489 : i32
        %dma_wait3A_491 = arith.constant 0 : i32
        %dma_wait3A_492 = tpu.memref_slice %arg4[%add3A_472, %mul3A_490, %dma_wait3A_491] : memref<1024x200x128xf32, #tpu.memory_space<hbm>> -> memref<1x200x128xf32, #tpu.memory_space<hbm>>
        %dma_wait3A_493 = tpu.memref_squeeze %dma_wait3A_492 : memref<1x200x128xf32, #tpu.memory_space<hbm>> -> memref<200x128xf32, #tpu.memory_space<hbm>>
        %dma_wait3A_494 = arith.constant 0 : i32
        %dma_wait3A_495 = tpu.memref_slice %arg4[%add3A_472, %mul3A_490, %dma_wait3A_494] : memref<1024x200x128xf32, #tpu.memory_space<hbm>> -> memref<1x200x128xf32, #tpu.memory_space<hbm>>
        %dma_wait3A_496 = tpu.memref_squeeze %dma_wait3A_495 : memref<1x200x128xf32, #tpu.memory_space<hbm>> -> memref<200x128xf32, #tpu.memory_space<hbm>>
        tpu.wait_dma2 semaphore(%arg14 : memref<!tpu.dma_semaphore, #tpu.memory_space<semaphore_mem>>) src(%arg6 : memref<200x128xf32, #tpu.memory_space<vmem>>) dst(%dma_wait3A_496 : memref<200x128xf32, #tpu.memory_space<hbm>>)
        %jit3A_497 = arith.constant 1 : i32
        %div3A_498 = arith.divsi %add3A_344, %jit3A_497 : i32
        %sign3A_499 = arith.constant 0 : i32
        %sign3A_500 = arith.cmpi sgt, %add3A_344, %sign3A_499 : i32
        %sign3A_501 = arith.extui %sign3A_500 : i1 to i32
        %sign3A_502 = arith.constant 0 : i32
        %sign3A_503 = arith.cmpi slt, %add3A_344, %sign3A_502 : i32
        %sign3A_504 = arith.extui %sign3A_503 : i1 to i32
        %sign3A_505 = arith.subi %sign3A_501, %sign3A_504 : i32
        %sign3A_506 = arith.constant 0 : i32
        %sign3A_507 = arith.cmpi sgt, %jit3A_497, %sign3A_506 : i32
        %sign3A_508 = arith.extui %sign3A_507 : i1 to i32
        %sign3A_509 = arith.constant 0 : i32
        %sign3A_510 = arith.cmpi slt, %jit3A_497, %sign3A_509 : i32
        %sign3A_511 = arith.extui %sign3A_510 : i1 to i32
        %sign3A_512 = arith.subi %sign3A_508, %sign3A_511 : i32
        %ne3A_513 = arith.cmpi ne, %sign3A_505, %sign3A_512 : i32
        %rem3A_514 = arith.remsi %add3A_344, %jit3A_497 : i32
        %ne3A_515 = arith.constant 0 : i32
        %ne3A_516 = arith.cmpi ne, %rem3A_514, %ne3A_515 : i32
        %and3A_517 = arith.andi %ne3A_513, %ne3A_516 : i1
        %sub3A_518 = arith.constant 1 : i32
        %sub3A_519 = arith.subi %div3A_498, %sub3A_518 : i32
        %select_n3A_520 = arith.select %and3A_517, %sub3A_519, %div3A_498 : i32
        %add3A_521 = arith.addi %mul3A_2, %select_n3A_520 : i32
        %jit3A_522 = arith.constant 1 : i32
        %eq3A_523 = arith.constant 0 : i32
        %eq3A_524 = arith.cmpi eq, %jit3A_522, %eq3A_523 : i32
        %jit3A_525 = arith.constant 1 : i32
        %select_n3A_526 = arith.select %eq3A_524, %jit3A_525, %jit3A_522 : i32
        %rem3A_527 = arith.remsi %add3A_344, %select_n3A_526 : i32
        %ne3A_528 = arith.constant 0 : i32
        %ne3A_529 = arith.cmpi ne, %rem3A_527, %ne3A_528 : i32
        %lt3A_530 = arith.constant 0 : i32
        %lt3A_531 = arith.cmpi slt, %rem3A_527, %lt3A_530 : i32
        %lt3A_532 = arith.constant 0 : i32
        %lt3A_533 = arith.cmpi slt, %select_n3A_526, %lt3A_532 : i32
        %ne3A_534 = arith.xori %lt3A_531, %lt3A_533 : i1
        %and3A_535 = arith.andi %ne3A_534, %ne3A_529 : i1
        %add3A_536 = arith.addi %rem3A_527, %select_n3A_526 : i32
        %select_n3A_537 = arith.select %and3A_535, %add3A_536, %rem3A_527 : i32
        %mul3A_538 = arith.constant 200 : i32
        %mul3A_539 = arith.muli %select_n3A_537, %mul3A_538 : i32
        %dma_start3A_540 = arith.constant 0 : i32
        %dma_start3A_541 = tpu.memref_slice %arg2[%add3A_521, %mul3A_539, %dma_start3A_540] : memref<1024x200x128xf32, #tpu.memory_space<hbm>> -> memref<1x200x128xf32, #tpu.memory_space<hbm>>
        %dma_start3A_542 = tpu.memref_squeeze %dma_start3A_541 : memref<1x200x128xf32, #tpu.memory_space<hbm>> -> memref<200x128xf32, #tpu.memory_space<hbm>>
        %dma_start3A_543 = arith.constant 0 : i32
        %dma_start3A_544 = tpu.memref_slice %arg2[%add3A_521, %mul3A_539, %dma_start3A_543] : memref<1024x200x128xf32, #tpu.memory_space<hbm>> -> memref<1x200x128xf32, #tpu.memory_space<hbm>>
        %dma_start3A_545 = tpu.memref_squeeze %dma_start3A_544 : memref<1x200x128xf32, #tpu.memory_space<hbm>> -> memref<200x128xf32, #tpu.memory_space<hbm>>
        tpu.enqueue_dma source(%dma_start3A_545 : memref<200x128xf32, #tpu.memory_space<hbm>>) target(%arg6 : memref<200x128xf32, #tpu.memory_space<vmem>>) target_semaphore(%arg10 : memref<!tpu.dma_semaphore, #tpu.memory_space<semaphore_mem>>)
      } else {
      }
      %mul3A_353 = arith.constant 4 : i32
      %mul3A_354 = arith.muli %scan3A_86, %mul3A_353 : i32
      %add3A_355 = arith.constant 3 : i32
      %add3A_356 = arith.addi %mul3A_354, %add3A_355 : i32
      %jit3A_357 = arith.constant 1 : i32
      %div3A_358 = arith.divsi %add3A_356, %jit3A_357 : i32
      %sign3A_359 = arith.constant 0 : i32
      %sign3A_360 = arith.cmpi sgt, %add3A_356, %sign3A_359 : i32
      %sign3A_361 = arith.extui %sign3A_360 : i1 to i32
      %sign3A_362 = arith.constant 0 : i32
      %sign3A_363 = arith.cmpi slt, %add3A_356, %sign3A_362 : i32
      %sign3A_364 = arith.extui %sign3A_363 : i1 to i32
      %sign3A_365 = arith.subi %sign3A_361, %sign3A_364 : i32
      %sign3A_366 = arith.constant 0 : i32
      %sign3A_367 = arith.cmpi sgt, %jit3A_357, %sign3A_366 : i32
      %sign3A_368 = arith.extui %sign3A_367 : i1 to i32
      %sign3A_369 = arith.constant 0 : i32
      %sign3A_370 = arith.cmpi slt, %jit3A_357, %sign3A_369 : i32
      %sign3A_371 = arith.extui %sign3A_370 : i1 to i32
      %sign3A_372 = arith.subi %sign3A_368, %sign3A_371 : i32
      %ne3A_373 = arith.cmpi ne, %sign3A_365, %sign3A_372 : i32
      %rem3A_374 = arith.remsi %add3A_356, %jit3A_357 : i32
      %ne3A_375 = arith.constant 0 : i32
      %ne3A_376 = arith.cmpi ne, %rem3A_374, %ne3A_375 : i32
      %and3A_377 = arith.andi %ne3A_373, %ne3A_376 : i1
      %sub3A_378 = arith.constant 1 : i32
      %sub3A_379 = arith.subi %div3A_358, %sub3A_378 : i32
      %select_n3A_380 = arith.select %and3A_377, %sub3A_379, %div3A_358 : i32
      %add3A_381 = arith.addi %mul3A_2, %select_n3A_380 : i32
      %jit3A_382 = arith.constant 1 : i32
      %eq3A_383 = arith.constant 0 : i32
      %eq3A_384 = arith.cmpi eq, %jit3A_382, %eq3A_383 : i32
      %jit3A_385 = arith.constant 1 : i32
      %select_n3A_386 = arith.select %eq3A_384, %jit3A_385, %jit3A_382 : i32
      %rem3A_387 = arith.remsi %add3A_356, %select_n3A_386 : i32
      %ne3A_388 = arith.constant 0 : i32
      %ne3A_389 = arith.cmpi ne, %rem3A_387, %ne3A_388 : i32
      %lt3A_390 = arith.constant 0 : i32
      %lt3A_391 = arith.cmpi slt, %rem3A_387, %lt3A_390 : i32
      %lt3A_392 = arith.constant 0 : i32
      %lt3A_393 = arith.cmpi slt, %select_n3A_386, %lt3A_392 : i32
      %ne3A_394 = arith.xori %lt3A_391, %lt3A_393 : i1
      %and3A_395 = arith.andi %ne3A_394, %ne3A_389 : i1
      %add3A_396 = arith.addi %rem3A_387, %select_n3A_386 : i32
      %select_n3A_397 = arith.select %and3A_395, %add3A_396, %rem3A_387 : i32
      %mul3A_398 = arith.constant 200 : i32
      %mul3A_399 = arith.muli %select_n3A_397, %mul3A_398 : i32
      %dma_wait3A_400 = arith.constant 0 : i32
      %dma_wait3A_401 = tpu.memref_slice %arg2[%add3A_381, %mul3A_399, %dma_wait3A_400] : memref<1024x200x128xf32, #tpu.memory_space<hbm>> -> memref<1x200x128xf32, #tpu.memory_space<hbm>>
      %dma_wait3A_402 = tpu.memref_squeeze %dma_wait3A_401 : memref<1x200x128xf32, #tpu.memory_space<hbm>> -> memref<200x128xf32, #tpu.memory_space<hbm>>
      %dma_wait3A_403 = arith.constant 0 : i32
      %dma_wait3A_404 = tpu.memref_slice %arg2[%add3A_381, %mul3A_399, %dma_wait3A_403] : memref<1024x200x128xf32, #tpu.memory_space<hbm>> -> memref<1x200x128xf32, #tpu.memory_space<hbm>>
      %dma_wait3A_405 = tpu.memref_squeeze %dma_wait3A_404 : memref<1x200x128xf32, #tpu.memory_space<hbm>> -> memref<200x128xf32, #tpu.memory_space<hbm>>
      tpu.wait_dma2 semaphore(%arg13 : memref<!tpu.dma_semaphore, #tpu.memory_space<semaphore_mem>>) src(%dma_wait3A_405 : memref<200x128xf32, #tpu.memory_space<hbm>>) dst(%arg9 : memref<200x128xf32, #tpu.memory_space<vmem>>)
      %jit3A_406 = arith.constant 1 : i32
      %eq3A_407 = arith.constant 0 : i32
      %eq3A_408 = arith.cmpi eq, %jit3A_406, %eq3A_407 : i32
      %jit3A_409 = arith.constant 1 : i32
      %select_n3A_410 = arith.select %eq3A_408, %jit3A_409, %jit3A_406 : i32
      %rem3A_411 = arith.remsi %add3A_356, %select_n3A_410 : i32
      %ne3A_412 = arith.constant 0 : i32
      %ne3A_413 = arith.cmpi ne, %rem3A_411, %ne3A_412 : i32
      %lt3A_414 = arith.constant 0 : i32
      %lt3A_415 = arith.cmpi slt, %rem3A_411, %lt3A_414 : i32
      %lt3A_416 = arith.constant 0 : i32
      %lt3A_417 = arith.cmpi slt, %select_n3A_410, %lt3A_416 : i32
      %ne3A_418 = arith.xori %lt3A_415, %lt3A_417 : i1
      %and3A_419 = arith.andi %ne3A_418, %ne3A_413 : i1
      %add3A_420 = arith.addi %rem3A_411, %select_n3A_410 : i32
      %select_n3A_421 = arith.select %and3A_419, %add3A_420, %rem3A_411 : i32
      %mul3A_422 = arith.constant 200 : i32
      %mul3A_423 = arith.muli %select_n3A_421, %mul3A_422 : i32
      %scan3A_424 = arith.constant 0 : i32
      %scan3A_425 = arith.constant 0 : i32
      %scan3A_426 = arith.constant 200 : i32
      %scan3A_427 = arith.addi %scan3A_425, %scan3A_426 : i32
      %scan3A_428 = arith.constant 2 : i32
      scf.for %scan3A_446 = %scan3A_425 to %scan3A_427 step %scan3A_428  : i32 {
        %add3A_447 = arith.addi %mul3A_423, %scan3A_446 : i32
        %get3A = arith.index_cast %add3A_447 : i32 to index
        %get3A_448 = arith.constant 0 : index
        %get3A_449 = tpu.vector_load %arg5[%get3A, %get3A_448] {strides = array<i32>} : memref<200x128xf32, #tpu.memory_space<vmem>>, vector<1x16xf32>,
        %get3A_450 = vector.shape_cast %get3A_449 : vector<1x16xf32> to vector<16xf32>
        %swap3A = arith.index_cast %scan3A_446 : i32 to index
        %swap3A_451 = arith.constant 0 : index
        %swap3A_452 = tpu.vector_load %arg9[%swap3A, %swap3A_451] {strides = array<i32>} : memref<200x128xf32, #tpu.memory_space<vmem>>, vector<1x16xf32>,
        %swap3A_453 = vector.shape_cast %swap3A_452 : vector<1x16xf32> to vector<16xf32>
        %swap3A_454 = vector.shape_cast %get3A_450 : vector<16xf32> to vector<1x16xf32>
        tpu.vector_store %arg9[%swap3A, %swap3A_451], %swap3A_454 {add = true, strides = array<i32>} : memref<200x128xf32, #tpu.memory_space<vmem>>, vector<1x16xf32>,
        %add3A_455 = arith.addi %mul3A_423, %scan3A_446 : i32
        %get3A_456 = arith.index_cast %add3A_455 : i32 to index
        %get3A_457 = arith.constant 16 : index
        %get3A_458 = tpu.vector_load %arg5[%get3A_456, %get3A_457] {strides = array<i32>} : memref<200x128xf32, #tpu.memory_space<vmem>>, vector<1x16xf32>,
        %get3A_459 = vector.shape_cast %get3A_458 : vector<1x16xf32> to vector<16xf32>
        %swap3A_460 = arith.index_cast %scan3A_446 : i32 to index
        %swap3A_461 = arith.constant 16 : index
        %swap3A_462 = tpu.vector_load %arg9[%swap3A_460, %swap3A_461] {strides = array<i32>} : memref<200x128xf32, #tpu.memory_space<vmem>>, vector<1x16xf32>,
        %swap3A_463 = vector.shape_cast %swap3A_462 : vector<1x16xf32> to vector<16xf32>
        %swap3A_464 = vector.shape_cast %get3A_459 : vector<16xf32> to vector<1x16xf32>
        tpu.vector_store %arg9[%swap3A_460, %swap3A_461], %swap3A_464 {add = true, strides = array<i32>} : memref<200x128xf32, #tpu.memory_space<vmem>>, vector<1x16xf32>,
        %add3A_465 = arith.addi %mul3A_423, %scan3A_446 : i32
        %get3A_466 = arith.index_cast %add3A_465 : i32 to index
        %get3A_467 = arith.constant 32 : index
        %get3A_468 = tpu.vector_load %arg5[%get3A_466, %get3A_467] {strides = array<i32>} : memref<200x128xf32, #tpu.memory_space<vmem>>, vector<1x16xf32>,
        %get3A_469 = vector.shape_cast %get3A_468 : vector<1x16xf32> to vector<16xf32>
        %swap3A_470 = arith.index_cast %scan3A_446 : i32 to index
        %swap3A_471 = arith.constant 32 : index
        %swap3A_472 = tpu.vector_load %arg9[%swap3A_470, %swap3A_471] {strides = array<i32>} : memref<200x128xf32, #tpu.memory_space<vmem>>, vector<1x16xf32>,
        %swap3A_473 = vector.shape_cast %swap3A_472 : vector<1x16xf32> to vector<16xf32>
        %swap3A_474 = vector.shape_cast %get3A_469 : vector<16xf32> to vector<1x16xf32>
        tpu.vector_store %arg9[%swap3A_470, %swap3A_471], %swap3A_474 {add = true, strides = array<i32>} : memref<200x128xf32, #tpu.memory_space<vmem>>, vector<1x16xf32>,
        %add3A_475 = arith.addi %mul3A_423, %scan3A_446 : i32
        %get3A_476 = arith.index_cast %add3A_475 : i32 to index
        %get3A_477 = arith.constant 48 : index
        %get3A_478 = tpu.vector_load %arg5[%get3A_476, %get3A_477] {strides = array<i32>} : memref<200x128xf32, #tpu.memory_space<vmem>>, vector<1x16xf32>,
        %get3A_479 = vector.shape_cast %get3A_478 : vector<1x16xf32> to vector<16xf32>
        %swap3A_480 = arith.index_cast %scan3A_446 : i32 to index
        %swap3A_481 = arith.constant 48 : index
        %swap3A_482 = tpu.vector_load %arg9[%swap3A_480, %swap3A_481] {strides = array<i32>} : memref<200x128xf32, #tpu.memory_space<vmem>>, vector<1x16xf32>,
        %swap3A_483 = vector.shape_cast %swap3A_482 : vector<1x16xf32> to vector<16xf32>
        %swap3A_484 = vector.shape_cast %get3A_479 : vector<16xf32> to vector<1x16xf32>
        tpu.vector_store %arg9[%swap3A_480, %swap3A_481], %swap3A_484 {add = true, strides = array<i32>} : memref<200x128xf32, #tpu.memory_space<vmem>>, vector<1x16xf32>,
        %add3A_485 = arith.addi %mul3A_423, %scan3A_446 : i32
        %get3A_486 = arith.index_cast %add3A_485 : i32 to index
        %get3A_487 = arith.constant 64 : index
        %get3A_488 = tpu.vector_load %arg5[%get3A_486, %get3A_487] {strides = array<i32>} : memref<200x128xf32, #tpu.memory_space<vmem>>, vector<1x16xf32>,
        %get3A_489 = vector.shape_cast %get3A_488 : vector<1x16xf32> to vector<16xf32>
        %swap3A_490 = arith.index_cast %scan3A_446 : i32 to index
        %swap3A_491 = arith.constant 64 : index
        %swap3A_492 = tpu.vector_load %arg9[%swap3A_490, %swap3A_491] {strides = array<i32>} : memref<200x128xf32, #tpu.memory_space<vmem>>, vector<1x16xf32>,
        %swap3A_493 = vector.shape_cast %swap3A_492 : vector<1x16xf32> to vector<16xf32>
        %swap3A_494 = vector.shape_cast %get3A_489 : vector<16xf32> to vector<1x16xf32>
        tpu.vector_store %arg9[%swap3A_490, %swap3A_491], %swap3A_494 {add = true, strides = array<i32>} : memref<200x128xf32, #tpu.memory_space<vmem>>, vector<1x16xf32>,
        %add3A_495 = arith.addi %mul3A_423, %scan3A_446 : i32
        %get3A_496 = arith.index_cast %add3A_495 : i32 to index
        %get3A_497 = arith.constant 80 : index
        %get3A_498 = tpu.vector_load %arg5[%get3A_496, %get3A_497] {strides = array<i32>} : memref<200x128xf32, #tpu.memory_space<vmem>>, vector<1x16xf32>,
        %get3A_499 = vector.shape_cast %get3A_498 : vector<1x16xf32> to vector<16xf32>
        %swap3A_500 = arith.index_cast %scan3A_446 : i32 to index
        %swap3A_501 = arith.constant 80 : index
        %swap3A_502 = tpu.vector_load %arg9[%swap3A_500, %swap3A_501] {strides = array<i32>} : memref<200x128xf32, #tpu.memory_space<vmem>>, vector<1x16xf32>,
        %swap3A_503 = vector.shape_cast %swap3A_502 : vector<1x16xf32> to vector<16xf32>
        %swap3A_504 = vector.shape_cast %get3A_499 : vector<16xf32> to vector<1x16xf32>
        tpu.vector_store %arg9[%swap3A_500, %swap3A_501], %swap3A_504 {add = true, strides = array<i32>} : memref<200x128xf32, #tpu.memory_space<vmem>>, vector<1x16xf32>,
        %add3A_505 = arith.addi %mul3A_423, %scan3A_446 : i32
        %get3A_506 = arith.index_cast %add3A_505 : i32 to index
        %get3A_507 = arith.constant 96 : index
        %get3A_508 = tpu.vector_load %arg5[%get3A_506, %get3A_507] {strides = array<i32>} : memref<200x128xf32, #tpu.memory_space<vmem>>, vector<1x16xf32>,
        %get3A_509 = vector.shape_cast %get3A_508 : vector<1x16xf32> to vector<16xf32>
        %swap3A_510 = arith.index_cast %scan3A_446 : i32 to index
        %swap3A_511 = arith.constant 96 : index
        %swap3A_512 = tpu.vector_load %arg9[%swap3A_510, %swap3A_511] {strides = array<i32>} : memref<200x128xf32, #tpu.memory_space<vmem>>, vector<1x16xf32>,
        %swap3A_513 = vector.shape_cast %swap3A_512 : vector<1x16xf32> to vector<16xf32>
        %swap3A_514 = vector.shape_cast %get3A_509 : vector<16xf32> to vector<1x16xf32>
        tpu.vector_store %arg9[%swap3A_510, %swap3A_511], %swap3A_514 {add = true, strides = array<i32>} : memref<200x128xf32, #tpu.memory_space<vmem>>, vector<1x16xf32>,
        %add3A_515 = arith.addi %mul3A_423, %scan3A_446 : i32
        %get3A_516 = arith.index_cast %add3A_515 : i32 to index
        %get3A_517 = arith.constant 112 : index
        %get3A_518 = tpu.vector_load %arg5[%get3A_516, %get3A_517] {strides = array<i32>} : memref<200x128xf32, #tpu.memory_space<vmem>>, vector<1x16xf32>,
        %get3A_519 = vector.shape_cast %get3A_518 : vector<1x16xf32> to vector<16xf32>
        %swap3A_520 = arith.index_cast %scan3A_446 : i32 to index
        %swap3A_521 = arith.constant 112 : index
        %swap3A_522 = tpu.vector_load %arg9[%swap3A_520, %swap3A_521] {strides = array<i32>} : memref<200x128xf32, #tpu.memory_space<vmem>>, vector<1x16xf32>,
        %swap3A_523 = vector.shape_cast %swap3A_522 : vector<1x16xf32> to vector<16xf32>
        %swap3A_524 = vector.shape_cast %get3A_519 : vector<16xf32> to vector<1x16xf32>
        tpu.vector_store %arg9[%swap3A_520, %swap3A_521], %swap3A_524 {add = true, strides = array<i32>} : memref<200x128xf32, #tpu.memory_space<vmem>>, vector<1x16xf32>,
        %scan3A_525 = arith.constant 1 : i32
        %scan3A_526 = arith.addi %scan3A_446, %scan3A_525 : i32
        %add3A_527 = arith.addi %mul3A_423, %scan3A_526 : i32
        %get3A_528 = arith.index_cast %add3A_527 : i32 to index
        %get3A_529 = arith.constant 0 : index
        %get3A_530 = tpu.vector_load %arg5[%get3A_528, %get3A_529] {strides = array<i32>} : memref<200x128xf32, #tpu.memory_space<vmem>>, vector<1x16xf32>,
        %get3A_531 = vector.shape_cast %get3A_530 : vector<1x16xf32> to vector<16xf32>
        %swap3A_532 = arith.index_cast %scan3A_526 : i32 to index
        %swap3A_533 = arith.constant 0 : index
        %swap3A_534 = tpu.vector_load %arg9[%swap3A_532, %swap3A_533] {strides = array<i32>} : memref<200x128xf32, #tpu.memory_space<vmem>>, vector<1x16xf32>,
        %swap3A_535 = vector.shape_cast %swap3A_534 : vector<1x16xf32> to vector<16xf32>
        %swap3A_536 = vector.shape_cast %get3A_531 : vector<16xf32> to vector<1x16xf32>
        tpu.vector_store %arg9[%swap3A_532, %swap3A_533], %swap3A_536 {add = true, strides = array<i32>} : memref<200x128xf32, #tpu.memory_space<vmem>>, vector<1x16xf32>,
        %add3A_537 = arith.addi %mul3A_423, %scan3A_526 : i32
        %get3A_538 = arith.index_cast %add3A_537 : i32 to index
        %get3A_539 = arith.constant 16 : index
        %get3A_540 = tpu.vector_load %arg5[%get3A_538, %get3A_539] {strides = array<i32>} : memref<200x128xf32, #tpu.memory_space<vmem>>, vector<1x16xf32>,
        %get3A_541 = vector.shape_cast %get3A_540 : vector<1x16xf32> to vector<16xf32>
        %swap3A_542 = arith.index_cast %scan3A_526 : i32 to index
        %swap3A_543 = arith.constant 16 : index
        %swap3A_544 = tpu.vector_load %arg9[%swap3A_542, %swap3A_543] {strides = array<i32>} : memref<200x128xf32, #tpu.memory_space<vmem>>, vector<1x16xf32>,
        %swap3A_545 = vector.shape_cast %swap3A_544 : vector<1x16xf32> to vector<16xf32>
        %swap3A_546 = vector.shape_cast %get3A_541 : vector<16xf32> to vector<1x16xf32>
        tpu.vector_store %arg9[%swap3A_542, %swap3A_543], %swap3A_546 {add = true, strides = array<i32>} : memref<200x128xf32, #tpu.memory_space<vmem>>, vector<1x16xf32>,
        %add3A_547 = arith.addi %mul3A_423, %scan3A_526 : i32
        %get3A_548 = arith.index_cast %add3A_547 : i32 to index
        %get3A_549 = arith.constant 32 : index
        %get3A_550 = tpu.vector_load %arg5[%get3A_548, %get3A_549] {strides = array<i32>} : memref<200x128xf32, #tpu.memory_space<vmem>>, vector<1x16xf32>,
        %get3A_551 = vector.shape_cast %get3A_550 : vector<1x16xf32> to vector<16xf32>
        %swap3A_552 = arith.index_cast %scan3A_526 : i32 to index
        %swap3A_553 = arith.constant 32 : index
        %swap3A_554 = tpu.vector_load %arg9[%swap3A_552, %swap3A_553] {strides = array<i32>} : memref<200x128xf32, #tpu.memory_space<vmem>>, vector<1x16xf32>,
        %swap3A_555 = vector.shape_cast %swap3A_554 : vector<1x16xf32> to vector<16xf32>
        %swap3A_556 = vector.shape_cast %get3A_551 : vector<16xf32> to vector<1x16xf32>
        tpu.vector_store %arg9[%swap3A_552, %swap3A_553], %swap3A_556 {add = true, strides = array<i32>} : memref<200x128xf32, #tpu.memory_space<vmem>>, vector<1x16xf32>,
        %add3A_557 = arith.addi %mul3A_423, %scan3A_526 : i32
        %get3A_558 = arith.index_cast %add3A_557 : i32 to index
        %get3A_559 = arith.constant 48 : index
        %get3A_560 = tpu.vector_load %arg5[%get3A_558, %get3A_559] {strides = array<i32>} : memref<200x128xf32, #tpu.memory_space<vmem>>, vector<1x16xf32>,
        %get3A_561 = vector.shape_cast %get3A_560 : vector<1x16xf32> to vector<16xf32>
        %swap3A_562 = arith.index_cast %scan3A_526 : i32 to index
        %swap3A_563 = arith.constant 48 : index
        %swap3A_564 = tpu.vector_load %arg9[%swap3A_562, %swap3A_563] {strides = array<i32>} : memref<200x128xf32, #tpu.memory_space<vmem>>, vector<1x16xf32>,
        %swap3A_565 = vector.shape_cast %swap3A_564 : vector<1x16xf32> to vector<16xf32>
        %swap3A_566 = vector.shape_cast %get3A_561 : vector<16xf32> to vector<1x16xf32>
        tpu.vector_store %arg9[%swap3A_562, %swap3A_563], %swap3A_566 {add = true, strides = array<i32>} : memref<200x128xf32, #tpu.memory_space<vmem>>, vector<1x16xf32>,
        %add3A_567 = arith.addi %mul3A_423, %scan3A_526 : i32
        %get3A_568 = arith.index_cast %add3A_567 : i32 to index
        %get3A_569 = arith.constant 64 : index
        %get3A_570 = tpu.vector_load %arg5[%get3A_568, %get3A_569] {strides = array<i32>} : memref<200x128xf32, #tpu.memory_space<vmem>>, vector<1x16xf32>,
        %get3A_571 = vector.shape_cast %get3A_570 : vector<1x16xf32> to vector<16xf32>
        %swap3A_572 = arith.index_cast %scan3A_526 : i32 to index
        %swap3A_573 = arith.constant 64 : index
        %swap3A_574 = tpu.vector_load %arg9[%swap3A_572, %swap3A_573] {strides = array<i32>} : memref<200x128xf32, #tpu.memory_space<vmem>>, vector<1x16xf32>,
        %swap3A_575 = vector.shape_cast %swap3A_574 : vector<1x16xf32> to vector<16xf32>
        %swap3A_576 = vector.shape_cast %get3A_571 : vector<16xf32> to vector<1x16xf32>
        tpu.vector_store %arg9[%swap3A_572, %swap3A_573], %swap3A_576 {add = true, strides = array<i32>} : memref<200x128xf32, #tpu.memory_space<vmem>>, vector<1x16xf32>,
        %add3A_577 = arith.addi %mul3A_423, %scan3A_526 : i32
        %get3A_578 = arith.index_cast %add3A_577 : i32 to index
        %get3A_579 = arith.constant 80 : index
        %get3A_580 = tpu.vector_load %arg5[%get3A_578, %get3A_579] {strides = array<i32>} : memref<200x128xf32, #tpu.memory_space<vmem>>, vector<1x16xf32>,
        %get3A_581 = vector.shape_cast %get3A_580 : vector<1x16xf32> to vector<16xf32>
        %swap3A_582 = arith.index_cast %scan3A_526 : i32 to index
        %swap3A_583 = arith.constant 80 : index
        %swap3A_584 = tpu.vector_load %arg9[%swap3A_582, %swap3A_583] {strides = array<i32>} : memref<200x128xf32, #tpu.memory_space<vmem>>, vector<1x16xf32>,
        %swap3A_585 = vector.shape_cast %swap3A_584 : vector<1x16xf32> to vector<16xf32>
        %swap3A_586 = vector.shape_cast %get3A_581 : vector<16xf32> to vector<1x16xf32>
        tpu.vector_store %arg9[%swap3A_582, %swap3A_583], %swap3A_586 {add = true, strides = array<i32>} : memref<200x128xf32, #tpu.memory_space<vmem>>, vector<1x16xf32>,
        %add3A_587 = arith.addi %mul3A_423, %scan3A_526 : i32
        %get3A_588 = arith.index_cast %add3A_587 : i32 to index
        %get3A_589 = arith.constant 96 : index
        %get3A_590 = tpu.vector_load %arg5[%get3A_588, %get3A_589] {strides = array<i32>} : memref<200x128xf32, #tpu.memory_space<vmem>>, vector<1x16xf32>,
        %get3A_591 = vector.shape_cast %get3A_590 : vector<1x16xf32> to vector<16xf32>
        %swap3A_592 = arith.index_cast %scan3A_526 : i32 to index
        %swap3A_593 = arith.constant 96 : index
        %swap3A_594 = tpu.vector_load %arg9[%swap3A_592, %swap3A_593] {strides = array<i32>} : memref<200x128xf32, #tpu.memory_space<vmem>>, vector<1x16xf32>,
        %swap3A_595 = vector.shape_cast %swap3A_594 : vector<1x16xf32> to vector<16xf32>
        %swap3A_596 = vector.shape_cast %get3A_591 : vector<16xf32> to vector<1x16xf32>
        tpu.vector_store %arg9[%swap3A_592, %swap3A_593], %swap3A_596 {add = true, strides = array<i32>} : memref<200x128xf32, #tpu.memory_space<vmem>>, vector<1x16xf32>,
        %add3A_597 = arith.addi %mul3A_423, %scan3A_526 : i32
        %get3A_598 = arith.index_cast %add3A_597 : i32 to index
        %get3A_599 = arith.constant 112 : index
        %get3A_600 = tpu.vector_load %arg5[%get3A_598, %get3A_599] {strides = array<i32>} : memref<200x128xf32, #tpu.memory_space<vmem>>, vector<1x16xf32>,
        %get3A_601 = vector.shape_cast %get3A_600 : vector<1x16xf32> to vector<16xf32>
        %swap3A_602 = arith.index_cast %scan3A_526 : i32 to index
        %swap3A_603 = arith.constant 112 : index
        %swap3A_604 = tpu.vector_load %arg9[%swap3A_602, %swap3A_603] {strides = array<i32>} : memref<200x128xf32, #tpu.memory_space<vmem>>, vector<1x16xf32>,
        %swap3A_605 = vector.shape_cast %swap3A_604 : vector<1x16xf32> to vector<16xf32>
        %swap3A_606 = vector.shape_cast %get3A_601 : vector<16xf32> to vector<1x16xf32>
        tpu.vector_store %arg9[%swap3A_602, %swap3A_603], %swap3A_606 {add = true, strides = array<i32>} : memref<200x128xf32, #tpu.memory_space<vmem>>, vector<1x16xf32>,
      }
      %scan3A_429 = arith.constant 200 : i32
      %dma_start3A_430 = arith.constant 0 : i32
      %dma_start3A_431 = tpu.memref_slice %arg4[%add3A_381, %mul3A_399, %dma_start3A_430] : memref<1024x200x128xf32, #tpu.memory_space<hbm>> -> memref<1x200x128xf32, #tpu.memory_space<hbm>>
      %dma_start3A_432 = tpu.memref_squeeze %dma_start3A_431 : memref<1x200x128xf32, #tpu.memory_space<hbm>> -> memref<200x128xf32, #tpu.memory_space<hbm>>
      %dma_start3A_433 = arith.constant 0 : i32
      %dma_start3A_434 = tpu.memref_slice %arg4[%add3A_381, %mul3A_399, %dma_start3A_433] : memref<1024x200x128xf32, #tpu.memory_space<hbm>> -> memref<1x200x128xf32, #tpu.memory_space<hbm>>
      %dma_start3A_435 = tpu.memref_squeeze %dma_start3A_434 : memref<1x200x128xf32, #tpu.memory_space<hbm>> -> memref<200x128xf32, #tpu.memory_space<hbm>>
      tpu.enqueue_dma source(%arg9 : memref<200x128xf32, #tpu.memory_space<vmem>>) target(%dma_start3A_435 : memref<200x128xf32, #tpu.memory_space<hbm>>) target_semaphore(%arg17 : memref<!tpu.dma_semaphore, #tpu.memory_space<semaphore_mem>>)
      %add3A_436 = arith.constant 2 : i32
      %add3A_437 = arith.addi %add3A_356, %add3A_436 : i32
      %ge3A_438 = arith.constant 4 : i32
      %ge3A_439 = arith.cmpi sge, %add3A_437, %ge3A_438 : i32
      %lt3A_440 = arith.constant 32 : i32
      %lt3A_441 = arith.cmpi slt, %add3A_437, %lt3A_440 : i32
      %and3A_442 = arith.andi %ge3A_439, %lt3A_441 : i1
      %convert_element_type3A_443 = arith.extui %and3A_442 : i1 to i32
      %cond3A_444 = arith.constant 0 : i32
      %cond3A_445 = arith.cmpi ne, %convert_element_type3A_443, %cond3A_444 : i32
      scf.if %cond3A_445 {
        %sub3A_446 = arith.constant 4 : i32
        %sub3A_447 = arith.subi %add3A_437, %sub3A_446 : i32
        %jit3A_448 = arith.constant 1 : i32
        %div3A_449 = arith.divsi %sub3A_447, %jit3A_448 : i32
        %sign3A_450 = arith.constant 0 : i32
        %sign3A_451 = arith.cmpi sgt, %sub3A_447, %sign3A_450 : i32
        %sign3A_452 = arith.extui %sign3A_451 : i1 to i32
        %sign3A_453 = arith.constant 0 : i32
        %sign3A_454 = arith.cmpi slt, %sub3A_447, %sign3A_453 : i32
        %sign3A_455 = arith.extui %sign3A_454 : i1 to i32
        %sign3A_456 = arith.subi %sign3A_452, %sign3A_455 : i32
        %sign3A_457 = arith.constant 0 : i32
        %sign3A_458 = arith.cmpi sgt, %jit3A_448, %sign3A_457 : i32
        %sign3A_459 = arith.extui %sign3A_458 : i1 to i32
        %sign3A_460 = arith.constant 0 : i32
        %sign3A_461 = arith.cmpi slt, %jit3A_448, %sign3A_460 : i32
        %sign3A_462 = arith.extui %sign3A_461 : i1 to i32
        %sign3A_463 = arith.subi %sign3A_459, %sign3A_462 : i32
        %ne3A_464 = arith.cmpi ne, %sign3A_456, %sign3A_463 : i32
        %rem3A_465 = arith.remsi %sub3A_447, %jit3A_448 : i32
        %ne3A_466 = arith.constant 0 : i32
        %ne3A_467 = arith.cmpi ne, %rem3A_465, %ne3A_466 : i32
        %and3A_468 = arith.andi %ne3A_464, %ne3A_467 : i1
        %sub3A_469 = arith.constant 1 : i32
        %sub3A_470 = arith.subi %div3A_449, %sub3A_469 : i32
        %select_n3A_471 = arith.select %and3A_468, %sub3A_470, %div3A_449 : i32
        %add3A_472 = arith.addi %mul3A_2, %select_n3A_471 : i32
        %jit3A_473 = arith.constant 1 : i32
        %eq3A_474 = arith.constant 0 : i32
        %eq3A_475 = arith.cmpi eq, %jit3A_473, %eq3A_474 : i32
        %jit3A_476 = arith.constant 1 : i32
        %select_n3A_477 = arith.select %eq3A_475, %jit3A_476, %jit3A_473 : i32
        %rem3A_478 = arith.remsi %sub3A_447, %select_n3A_477 : i32
        %ne3A_479 = arith.constant 0 : i32
        %ne3A_480 = arith.cmpi ne, %rem3A_478, %ne3A_479 : i32
        %lt3A_481 = arith.constant 0 : i32
        %lt3A_482 = arith.cmpi slt, %rem3A_478, %lt3A_481 : i32
        %lt3A_483 = arith.constant 0 : i32
        %lt3A_484 = arith.cmpi slt, %select_n3A_477, %lt3A_483 : i32
        %ne3A_485 = arith.xori %lt3A_482, %lt3A_484 : i1
        %and3A_486 = arith.andi %ne3A_485, %ne3A_480 : i1
        %add3A_487 = arith.addi %rem3A_478, %select_n3A_477 : i32
        %select_n3A_488 = arith.select %and3A_486, %add3A_487, %rem3A_478 : i32
        %mul3A_489 = arith.constant 200 : i32
        %mul3A_490 = arith.muli %select_n3A_488, %mul3A_489 : i32
        %dma_wait3A_491 = arith.constant 0 : i32
        %dma_wait3A_492 = tpu.memref_slice %arg4[%add3A_472, %mul3A_490, %dma_wait3A_491] : memref<1024x200x128xf32, #tpu.memory_space<hbm>> -> memref<1x200x128xf32, #tpu.memory_space<hbm>>
        %dma_wait3A_493 = tpu.memref_squeeze %dma_wait3A_492 : memref<1x200x128xf32, #tpu.memory_space<hbm>> -> memref<200x128xf32, #tpu.memory_space<hbm>>
        %dma_wait3A_494 = arith.constant 0 : i32
        %dma_wait3A_495 = tpu.memref_slice %arg4[%add3A_472, %mul3A_490, %dma_wait3A_494] : memref<1024x200x128xf32, #tpu.memory_space<hbm>> -> memref<1x200x128xf32, #tpu.memory_space<hbm>>
        %dma_wait3A_496 = tpu.memref_squeeze %dma_wait3A_495 : memref<1x200x128xf32, #tpu.memory_space<hbm>> -> memref<200x128xf32, #tpu.memory_space<hbm>>
        tpu.wait_dma2 semaphore(%arg15 : memref<!tpu.dma_semaphore, #tpu.memory_space<semaphore_mem>>) src(%arg7 : memref<200x128xf32, #tpu.memory_space<vmem>>) dst(%dma_wait3A_496 : memref<200x128xf32, #tpu.memory_space<hbm>>)
        %jit3A_497 = arith.constant 1 : i32
        %div3A_498 = arith.divsi %add3A_437, %jit3A_497 : i32
        %sign3A_499 = arith.constant 0 : i32
        %sign3A_500 = arith.cmpi sgt, %add3A_437, %sign3A_499 : i32
        %sign3A_501 = arith.extui %sign3A_500 : i1 to i32
        %sign3A_502 = arith.constant 0 : i32
        %sign3A_503 = arith.cmpi slt, %add3A_437, %sign3A_502 : i32
        %sign3A_504 = arith.extui %sign3A_503 : i1 to i32
        %sign3A_505 = arith.subi %sign3A_501, %sign3A_504 : i32
        %sign3A_506 = arith.constant 0 : i32
        %sign3A_507 = arith.cmpi sgt, %jit3A_497, %sign3A_506 : i32
        %sign3A_508 = arith.extui %sign3A_507 : i1 to i32
        %sign3A_509 = arith.constant 0 : i32
        %sign3A_510 = arith.cmpi slt, %jit3A_497, %sign3A_509 : i32
        %sign3A_511 = arith.extui %sign3A_510 : i1 to i32
        %sign3A_512 = arith.subi %sign3A_508, %sign3A_511 : i32
        %ne3A_513 = arith.cmpi ne, %sign3A_505, %sign3A_512 : i32
        %rem3A_514 = arith.remsi %add3A_437, %jit3A_497 : i32
        %ne3A_515 = arith.constant 0 : i32
        %ne3A_516 = arith.cmpi ne, %rem3A_514, %ne3A_515 : i32
        %and3A_517 = arith.andi %ne3A_513, %ne3A_516 : i1
        %sub3A_518 = arith.constant 1 : i32
        %sub3A_519 = arith.subi %div3A_498, %sub3A_518 : i32
        %select_n3A_520 = arith.select %and3A_517, %sub3A_519, %div3A_498 : i32
        %add3A_521 = arith.addi %mul3A_2, %select_n3A_520 : i32
        %jit3A_522 = arith.constant 1 : i32
        %eq3A_523 = arith.constant 0 : i32
        %eq3A_524 = arith.cmpi eq, %jit3A_522, %eq3A_523 : i32
        %jit3A_525 = arith.constant 1 : i32
        %select_n3A_526 = arith.select %eq3A_524, %jit3A_525, %jit3A_522 : i32
        %rem3A_527 = arith.remsi %add3A_437, %select_n3A_526 : i32
        %ne3A_528 = arith.constant 0 : i32
        %ne3A_529 = arith.cmpi ne, %rem3A_527, %ne3A_528 : i32
        %lt3A_530 = arith.constant 0 : i32
        %lt3A_531 = arith.cmpi slt, %rem3A_527, %lt3A_530 : i32
        %lt3A_532 = arith.constant 0 : i32
        %lt3A_533 = arith.cmpi slt, %select_n3A_526, %lt3A_532 : i32
        %ne3A_534 = arith.xori %lt3A_531, %lt3A_533 : i1
        %and3A_535 = arith.andi %ne3A_534, %ne3A_529 : i1
        %add3A_536 = arith.addi %rem3A_527, %select_n3A_526 : i32
        %select_n3A_537 = arith.select %and3A_535, %add3A_536, %rem3A_527 : i32
        %mul3A_538 = arith.constant 200 : i32
        %mul3A_539 = arith.muli %select_n3A_537, %mul3A_538 : i32
        %dma_start3A_540 = arith.constant 0 : i32
        %dma_start3A_541 = tpu.memref_slice %arg2[%add3A_521, %mul3A_539, %dma_start3A_540] : memref<1024x200x128xf32, #tpu.memory_space<hbm>> -> memref<1x200x128xf32, #tpu.memory_space<hbm>>
        %dma_start3A_542 = tpu.memref_squeeze %dma_start3A_541 : memref<1x200x128xf32, #tpu.memory_space<hbm>> -> memref<200x128xf32, #tpu.memory_space<hbm>>
        %dma_start3A_543 = arith.constant 0 : i32
        %dma_start3A_544 = tpu.memref_slice %arg2[%add3A_521, %mul3A_539, %dma_start3A_543] : memref<1024x200x128xf32, #tpu.memory_space<hbm>> -> memref<1x200x128xf32, #tpu.memory_space<hbm>>
        %dma_start3A_545 = tpu.memref_squeeze %dma_start3A_544 : memref<1x200x128xf32, #tpu.memory_space<hbm>> -> memref<200x128xf32, #tpu.memory_space<hbm>>
        tpu.enqueue_dma source(%dma_start3A_545 : memref<200x128xf32, #tpu.memory_space<hbm>>) target(%arg7 : memref<200x128xf32, #tpu.memory_space<vmem>>) target_semaphore(%arg11 : memref<!tpu.dma_semaphore, #tpu.memory_space<semaphore_mem>>)
      } else {
      }
    }
    %scan3A_46 = arith.constant 8 : i32
    %add3A_47 = arith.constant 28 : i32
    %add3A_48 = arith.addi %mul3A_2, %add3A_47 : i32
    %dma_wait3A = arith.constant 0 : i32
    %dma_wait3A_49 = arith.constant 0 : i32
    %dma_wait3A_50 = tpu.memref_slice %arg4[%add3A_48, %dma_wait3A, %dma_wait3A_49] : memref<1024x200x128xf32, #tpu.memory_space<hbm>> -> memref<1x200x128xf32, #tpu.memory_space<hbm>>
    %dma_wait3A_51 = tpu.memref_squeeze %dma_wait3A_50 : memref<1x200x128xf32, #tpu.memory_space<hbm>> -> memref<200x128xf32, #tpu.memory_space<hbm>>
    %dma_wait3A_52 = arith.constant 0 : i32
    %dma_wait3A_53 = arith.constant 0 : i32
    %dma_wait3A_54 = tpu.memref_slice %arg4[%add3A_48, %dma_wait3A_52, %dma_wait3A_53] : memref<1024x200x128xf32, #tpu.memory_space<hbm>> -> memref<1x200x128xf32, #tpu.memory_space<hbm>>
    %dma_wait3A_55 = tpu.memref_squeeze %dma_wait3A_54 : memref<1x200x128xf32, #tpu.memory_space<hbm>> -> memref<200x128xf32, #tpu.memory_space<hbm>>
    tpu.wait_dma2 semaphore(%arg14 : memref<!tpu.dma_semaphore, #tpu.memory_space<semaphore_mem>>) src(%arg6 : memref<200x128xf32, #tpu.memory_space<vmem>>) dst(%dma_wait3A_55 : memref<200x128xf32, #tpu.memory_space<hbm>>)
    %add3A_56 = arith.constant 29 : i32
    %add3A_57 = arith.addi %mul3A_2, %add3A_56 : i32
    %dma_wait3A_58 = arith.constant 0 : i32
    %dma_wait3A_59 = arith.constant 0 : i32
    %dma_wait3A_60 = tpu.memref_slice %arg4[%add3A_57, %dma_wait3A_58, %dma_wait3A_59] : memref<1024x200x128xf32, #tpu.memory_space<hbm>> -> memref<1x200x128xf32, #tpu.memory_space<hbm>>
    %dma_wait3A_61 = tpu.memref_squeeze %dma_wait3A_60 : memref<1x200x128xf32, #tpu.memory_space<hbm>> -> memref<200x128xf32, #tpu.memory_space<hbm>>
    %dma_wait3A_62 = arith.constant 0 : i32
    %dma_wait3A_63 = arith.constant 0 : i32
    %dma_wait3A_64 = tpu.memref_slice %arg4[%add3A_57, %dma_wait3A_62, %dma_wait3A_63] : memref<1024x200x128xf32, #tpu.memory_space<hbm>> -> memref<1x200x128xf32, #tpu.memory_space<hbm>>
    %dma_wait3A_65 = tpu.memref_squeeze %dma_wait3A_64 : memref<1x200x128xf32, #tpu.memory_space<hbm>> -> memref<200x128xf32, #tpu.memory_space<hbm>>
    tpu.wait_dma2 semaphore(%arg15 : memref<!tpu.dma_semaphore, #tpu.memory_space<semaphore_mem>>) src(%arg7 : memref<200x128xf32, #tpu.memory_space<vmem>>) dst(%dma_wait3A_65 : memref<200x128xf32, #tpu.memory_space<hbm>>)
    %add3A_66 = arith.constant 30 : i32
    %add3A_67 = arith.addi %mul3A_2, %add3A_66 : i32
    %dma_wait3A_68 = arith.constant 0 : i32
    %dma_wait3A_69 = arith.constant 0 : i32
    %dma_wait3A_70 = tpu.memref_slice %arg4[%add3A_67, %dma_wait3A_68, %dma_wait3A_69] : memref<1024x200x128xf32, #tpu.memory_space<hbm>> -> memref<1x200x128xf32, #tpu.memory_space<hbm>>
    %dma_wait3A_71 = tpu.memref_squeeze %dma_wait3A_70 : memref<1x200x128xf32, #tpu.memory_space<hbm>> -> memref<200x128xf32, #tpu.memory_space<hbm>>
    %dma_wait3A_72 = arith.constant 0 : i32
    %dma_wait3A_73 = arith.constant 0 : i32
    %dma_wait3A_74 = tpu.memref_slice %arg4[%add3A_67, %dma_wait3A_72, %dma_wait3A_73] : memref<1024x200x128xf32, #tpu.memory_space<hbm>> -> memref<1x200x128xf32, #tpu.memory_space<hbm>>
    %dma_wait3A_75 = tpu.memref_squeeze %dma_wait3A_74 : memref<1x200x128xf32, #tpu.memory_space<hbm>> -> memref<200x128xf32, #tpu.memory_space<hbm>>
    tpu.wait_dma2 semaphore(%arg16 : memref<!tpu.dma_semaphore, #tpu.memory_space<semaphore_mem>>) src(%arg8 : memref<200x128xf32, #tpu.memory_space<vmem>>) dst(%dma_wait3A_75 : memref<200x128xf32, #tpu.memory_space<hbm>>)
    %add3A_76 = arith.constant 31 : i32
    %add3A_77 = arith.addi %mul3A_2, %add3A_76 : i32
    %dma_wait3A_78 = arith.constant 0 : i32
    %dma_wait3A_79 = arith.constant 0 : i32
    %dma_wait3A_80 = tpu.memref_slice %arg4[%add3A_77, %dma_wait3A_78, %dma_wait3A_79] : memref<1024x200x128xf32, #tpu.memory_space<hbm>> -> memref<1x200x128xf32, #tpu.memory_space<hbm>>
    %dma_wait3A_81 = tpu.memref_squeeze %dma_wait3A_80 : memref<1x200x128xf32, #tpu.memory_space<hbm>> -> memref<200x128xf32, #tpu.memory_space<hbm>>
    %dma_wait3A_82 = arith.constant 0 : i32
    %dma_wait3A_83 = arith.constant 0 : i32
    %dma_wait3A_84 = tpu.memref_slice %arg4[%add3A_77, %dma_wait3A_82, %dma_wait3A_83] : memref<1024x200x128xf32, #tpu.memory_space<hbm>> -> memref<1x200x128xf32, #tpu.memory_space<hbm>>
    %dma_wait3A_85 = tpu.memref_squeeze %dma_wait3A_84 : memref<1x200x128xf32, #tpu.memory_space<hbm>> -> memref<200x128xf32, #tpu.memory_space<hbm>>
    tpu.wait_dma2 semaphore(%arg17 : memref<!tpu.dma_semaphore, #tpu.memory_space<semaphore_mem>>) src(%arg9 : memref<200x128xf32, #tpu.memory_space<vmem>>) dst(%dma_wait3A_85 : memref<200x128xf32, #tpu.memory_space<hbm>>)
    return
  }
}

</mosaic_0001>

<sc_bundles>
// kernel: kernel.3.cloned.1.call-start
scs
__scs_entry_jumppad:
0x0: {  	(pc) =	sbr.rel $0x88, $3  }
0x1: {  	(tag) =	ssettag $0x0;
	lr =	simm.s32 $0x1  }
0x2: {  	[smem:$0x3F9F] =	sst lr;
	_ =	strace $0xD0000000  }
0x3: {  	_ = 	snop  }
0x4: {  	_ = 	snop  }
0x5: {  	_ = 	snop  }
0x6: {  	_ = 	snop  }
0x7: {  	_ = 	snop  }
__scs_overlays_trampoline_lowered:
0x8: {  	[smem:$0x3FAE] =	sst s0  }
0x9: {  	[smem:$0x3FAF] =	sst s1  }
0xa: {  	[smem:$0x3FB0] =	sst s2  }
0xb: {  	[smem:$0x3FB1] =	sst s3  }
0xc: {  	[smem:$0x3FB2] =	sst s4  }
0xd: {  	[smem:$0x3FB3] =	sst s5  }
0xe: {  	[smem:$0x3FB4] =	sst s6  }
0xf: {  	[smem:$0x3FB5] =	sst s7  }
0x10: {  	[smem:$0x3FB6] =	sst s8  }
0x11: {  	[smem:$0x3FB7] =	sst s9;
	s0 =	simm.s32 @!p0 $0x0  }
0x12: {  	s1 =	sld [smem:$0x3F9D];
	s0 =	simm.s32 @p0 $0x1  }
0x13: {  	[smem:$0x3FB8] =	sst s0;
	s0 =	simm.s32 @!p1 $0x0  }
0x14: {  	s2 =	sld [smem:$0x3F9C];
	s0 =	simm.s32 @p1 $0x1  }
0x15: {  	[smem:$0x3FB9] =	sst s0;
	s0 =	simm.s32 @!p2 $0x0  }
0x16: {  	s3 =	sld [smem:$0x3FDB];
	s0 =	simm.s32 @p2 $0x1  }
0x17: {  	s4 =	simm.s32 $0x1BF5;
	[smem:$0x3FBB] =	sst s0  }
0x18: {  	s0 =	sld [smem:$0x3F9E];
	_ =	swait.ge [sflag:s4], $0x0  }
0x19: {  	s7 =	sld [smem:$0x3F9F]  }
0x1a: {  	s8 =	sadd.s32 $0xFFFFE003, lr  }
0x1b: {  	s9 =	sadd.s32 $0xFFFFFEF7, lr;
	s5 =	simm.s32 $0xFFFFFFFF;
	p2 =	slt.u32 s8, $0xFFFFF086  }
0x1c: {  	p1 =	slt.u32 s9, $0xF7A;
	s5 =	simm.s32 @!p2 $0x0  }
0x1d: {  	s5 =	simm.s32 @p1 $0x1;
	p0 =	seq.s32 s7, s2  }
0x1e: {  	s7 =	smul.u32 @!p0 $0xF7A, s2;
	p2 =	seq.s32 @!p0 s5, $0x0  }
0x1f: {  	s9 =	smul.u32 $0xF7A, s1;
	s8 =	simm.s32 @!p0 $0x1BF5;
	p2 =	por !p2, p0  }
0x20: {  	[sflag:s8] =	ssyncset.s32 @!p0 $0xFFFFF086;
	s6 =	sadd.s32 @!p0 s3, s7;
	s7 =	simm.s32 @!p0 $0x108  }
0x21: {  	s3 =	sadd.s32 s3, s9;
	s6 =	sadd.s32 @!p0 $0x88, s6;
	s7 =	simm.s32 @p2 $0x1082  }
0x22: {  	[simem:s7], [sflag:s8] =	dma.local @!p0 [hbm:s6], $0xF7A  }
0x23: {  	s9 =	sor.u32 $0xD0000000, s2;
	s6 =	simm.s32 $0x108;
	_ =	swait.ge @!p0 [sflag:s8], $0x0  }
0x24: {  	s3 =	sadd.s32 $0x88, s3;
	s6 =	simm.s32 @!p1 $0x1082;
	[sflag:s4] =	ssyncset.s32 $0xFFFFF086  }
0x25: {  	[simem:s6], [sflag:s4] =	dma.local [hbm:s3], $0xF7A  }
0x26: {  	[smem:$0x3F9F] =	sst s1;
	(tag) =	ssettag s2;
	_ =	strace s9  }
0x27: {  	s1 =	sld [smem:$0x3FAF]  }
0x28: {  	s2 =	sld [smem:$0x3FB0]  }
0x29: {  	s4 =	sld [smem:$0x3FB2]  }
0x2a: {  	p0 =	seq.s32 s5, $0x0;
	s5 =	sld [smem:$0x3FB3]  }
0x2b: {  	s6 =	sld [smem:$0x3FB4]  }
0x2c: {  	s7 =	sld [smem:$0x3FB5]  }
0x2d: {  	s3 =	simm.s32 $0x108;
	s8 =	sld [smem:$0x3FB6]  }
0x2e: {  	s3 =	simm.s32 @!p0 $0x1082;
	s9 =	sld [smem:$0x3FB7]  }
0x2f: {  	lr =	sadd.s32 s0, s3;
	s0 =	sld [smem:$0x3FAE]  }
0x30: {  	s3 =	sld [smem:$0x3FB1]  }
0x31: {  	[smem:$0x3FBA] =	sst s10  }
0x32: {  	s10 =	sld [smem:$0x3FB8];
	_ =	sdelay $0x3  }
0x33: {  	p0 =	seq.s32 s10, $0x1;
	s10 =	sld [smem:$0x3FBA];
	_ =	sdelay $0x3  }
0x34: {  	[smem:$0x3FBA] =	sst s10  }
0x35: {  	s10 =	sld [smem:$0x3FB9];
	_ =	sdelay $0x3  }
0x36: {  	p1 =	seq.s32 s10, $0x1;
	s10 =	sld [smem:$0x3FBA];
	_ =	sdelay $0x3  }
0x37: {  	[smem:$0x3FBA] =	sst s10  }
0x38: {  	s10 =	sld [smem:$0x3FBB]  }
0x39: {  	_ = 	snop;
	(pc) =	sbr.ind lr, $3  }
0x3a: {  	_ = 	snop  }
0x3b: {  	_ = 	snop  }
0x3c: {  	p2 =	seq.s32 s10, $0x1;
	s10 =	sld [smem:$0x3FBA]  }
0x3d: {  	_ =	shalt  }
0x3e: {  	_ =	shalt  }
0x3f: {  	_ =	shalt  }
0x40: {  	_ =	shalt  }
0x41: {  	_ =	shalt  }
0x42: {  	_ =	shalt  }
0x43: {  	_ =	shalt  }
0x44: {  	_ =	shalt  }
0x45: {  	_ =	shalt  }
0x46: {  	_ =	shalt  }
0x47: {  	_ =	shalt  }
0x48: {  	_ =	shalt  }
0x49: {  	_ =	shalt  }
0x4a: {  	_ =	shalt  }
0x4b: {  	_ =	shalt  }
0x4c: {  	_ =	shalt  }
0x4d: {  	_ =	shalt  }
0x4e: {  	_ =	shalt  }
0x4f: {  	_ =	shalt  }
0x50: {  	_ =	shalt  }
0x51: {  	_ =	shalt  }
0x52: {  	_ =	shalt  }
0x53: {  	_ =	shalt  }
0x54: {  	_ =	shalt  }
0x55: {  	_ =	shalt  }
0x56: {  	_ =	shalt  }
0x57: {  	_ =	shalt  }
0x58: {  	_ =	shalt  }
0x59: {  	_ =	shalt  }
0x5a: {  	_ =	shalt  }
0x5b: {  	_ =	shalt  }
0x5c: {  	_ =	shalt  }
0x5d: {  	_ =	shalt  }
0x5e: {  	_ =	shalt  }
0x5f: {  	_ =	shalt  }
0x60: {  	_ =	shalt  }
0x61: {  	_ =	shalt  }
0x62: {  	_ =	shalt  }
0x63: {  	_ =	shalt  }
0x64: {  	_ =	shalt  }
0x65: {  	_ =	shalt  }
0x66: {  	_ =	shalt  }
0x67: {  	_ =	shalt  }
0x68: {  	_ =	shalt  }
0x69: {  	_ =	shalt  }
0x6a: {  	_ =	shalt  }
0x6b: {  	_ =	shalt  }
0x6c: {  	_ =	shalt  }
0x6d: {  	_ =	shalt  }
0x6e: {  	_ =	shalt  }
0x6f: {  	_ =	shalt  }
0x70: {  	_ =	shalt  }
0x71: {  	_ =	shalt  }
0x72: {  	_ =	shalt  }
0x73: {  	_ =	shalt  }
0x74: {  	_ =	shalt  }
0x75: {  	_ =	shalt  }
0x76: {  	_ =	shalt  }
0x77: {  	_ =	shalt  }
0x78: {  	_ =	shalt  }
0x79: {  	_ =	shalt  }
0x7a: {  	_ =	shalt  }
0x7b: {  	_ =	shalt  }
0x7c: {  	_ =	shalt  }
0x7d: {  	_ =	shalt  }
0x7e: {  	_ =	shalt  }
0x7f: {  	_ =	shalt  }
0x80: {  	_ =	shalt  }
0x81: {  	_ =	shalt  }
0x82: {  	_ =	shalt  }
0x83: {  	_ =	shalt  }
0x84: {  	_ =	shalt  }
0x85: {  	_ =	shalt  }
0x86: {  	_ =	shalt  }
0x87: {  	_ =	shalt  }
.Lfunc_end0:
.L_simem_size_0:
called_computation_lowered:
.L_overlay_start_0:
0x88: {  	s2 =	sld [smem:$0x3FD9]  }
0x89: {  	s3 =	sld [smem:$0x3FFE];
	_ =	sdelay $0x1  }
0x8a: {  	s1 =	srdreg.scid  }
0x8b: {  	s0 =	sand.u32 $0x1, s1  }
0x8c: {  	s18 =	sshll.u32 s0, $0xA;
	s2 =	sadd.s32 s3, s2  }
0x8d: {  	s2 =	sadd.s32 s2, s18  }
0x8e: {  	[smem:$0x3FC6] =	sst s2  }
0x8f: {  	_ = 	snop  }
0x90: {  	s2 =	sld [smem:$0x3FC9]  }
0x91: {  	s19 =	sld [smem:$0x3FC8]  }
0x92: {  	s4 =	sld [smem:$0x3FD0];
	(tm) =	ssettm $0x1  }
0x93: {  	s5 =	sld [smem:$0x3FFB];
	_ =	sdelay $0x3  }
0x94: {  	_ =	strace s5  }
0x95: {  	s5 =	sld [smem:$0x3FFC];
	_ =	sdelay $0x3  }
0x96: {  	_ =	strace s5  }
0x97: {  	s5 =	sld [smem:$0x3FFD];
	_ =	sdelay $0x3  }
0x98: {  	_ =	strace s5  }
0x99: {  	_ =	strace $0x8FFFFFFF  }
0x9a: {  	s20 =	sld [smem:$0x3FDB];
	_ =	sdelay $0x1  }
0x9b: {  	s6 =	simm.s32 $_scs_section_size  }
0x9c: {  	s7 =	simm.s32 $_size__tile_overlayer_lowered;
	s8 =	simm.s32 $_tile_overlayer_lowered  }
0x9d: {  	s23 =	simm.s32 $0x1BFF;
	s22 =	sshll.u32 s8, $0x1;
	s5 =	sadd.s32 s6, s20  }
0x9e: {  	s9 =	simm.s32 $0x0;
	s21 =	sshll.u32 s7, $0x1;
	s7 =	sadd.s32 s22, s5  }
0x9f: {  	[timem:s9], [sflag:s23] =	dma.local [hbm:s7], s21  }
0xa0: {  	_ =	swait.ge [sflag:s23], s21  }
0xa1: {  	s6 =	ssub.s32 $0x0, s21;
	[sflag:s23] =	ssyncset.done $0x0  }
0xa2: {  	[sflag:s23] =	ssyncadd.s32 s6;
	_ =	sdelay $0x1  }
0xa3: {  	s24 =	simm.s32 $0x1B8B  }
0xa4: {  	_ =	swait.ge [sflag:s24], $0x1  }
0xa5: {  	[sflag:s24] =	ssyncset.done $0x0  }
0xa6: {  	s25 =	simm.s32 $0x1B8E;
	[sflag:s24] =	ssyncadd.s32 $0xFFFFFFFF  }
0xa7: {  	s26 =	simm.s32 $execute0_lowered;
	[smem:$0x3FD2] =	sst s25  }
0xa8: {  	s6 =	sshll.u32 s26, $0x1;
	_ =	strace $0x80000046;
	[dreg:$0x1] =	wrdreg $0xFFFFFFFF  }
0xa9: {  	s28 =	simm.s32 $_size_execute0_lowered;
	s5 =	sadd.s32 s5, s6;
	[dreg:$0x0] =	wrdreg $0x0  }
0xaa: {  	s6 =	sshll.u32 s28, $0x1;
	[dreg:$0x2] =	wrdreg s5  }
0xab: {  	[dreg:$0x3] =	wrdreg s6  }
0xac: {  	[dreg:$0x4] =	wrdreg $0xC0  }
0xad: {  	_ =	task [dreg:s9], $0x5FFFF  }
0xae: {  	[dreg:$0x1] =	wrdreg $0xFFFFFFFF  }
0xaf: {  	[dreg:$0x0] =	wrdreg $0x60  }
0xb0: {  	[dreg:$0x2] =	wrdreg s2  }
0xb1: {  	[dreg:$0x3] =	wrdreg s19  }
0xb2: {  	[dreg:$0x4] =	wrdreg s4  }
0xb3: {  	[dreg:$0x5] =	wrdreg $0x9  }
0xb4: {  	_ =	task.clear_ibuf [dreg:s9], $0x6FFFF;
	_ =	strace $0x90000046  }
0xb5: {  	s29 =	simm.s32 $0x9;
	_ =	strace $0x80000048  }
0xb6: {  	_ =	swait.ge [sflag:s29], $0x1  }
0xb7: {  	[sflag:s29] =	ssyncadd.s32 $0xFFFFFFFF  }
0xb8: {  	_ =	strace $0x90000048  }
0xb9: {  	_ =	sfence  }
0xba: {  	s30 =	sld [smem:$0x0];
	_ =	sdelay $0x2  }
0xbb: {  	s31 =	sshll.u32 s1, $0xD;
	s1 =	sshrl.u32 s1, $0x2  }
0xbc: {  	s3 =	sand.u32 $0x4000, s31;
	s1 =	sadd.s32 s1, s30  }
0xbd: {  	s0 =	sor.u32 s3, s0;
	s1 =	sshll.u32 s1, $0x11  }
0xbe: {  	s0 =	sor.u32 s1, s0  }
0xbf: {  	s0 =	sadd.s32 $0x8F2B, s0  }
0xc0: {  	[sflag:s0] =	ssyncadd.remote.s32 $0x1  }
0xc1: {  	_ =	sfence.sel $0xFFFF  }
0xc2: {  	[dreg:$0x0] =	wrdreg $0xFFFFFFFF;
	(pc) =	sbr.abs _section_cstart, $3  }
0xc3: {  	[dreg:$0x1] =	wrdreg $0xFFFFFFFF  }
0xc4: {  	_ =	task.clear_ibuf [dreg:s9], $0x2FFFF;
	_ =	strace $0x9FFFFFFF  }
0xc5: {  	(tm) =	ssettm $0x7FFFFFFF  }
tec
execute0_lowered:
.L_overlay_start_1:
0x0: {  	(tag) =	ssettag $0x1  }
0x1: {  	s0 =	srdreg.scid;
	s1 =	rddreg [dreg:$0x0]  }
0x2: {  	s2 =	stileid.u32;
	s4 =	rddreg [dreg:$0x2];
	s6 =	simm.s32 $0x0  }
0x3: {  	s14 =	simm.s32 $0x9;
	s15 =	simm.s32 $0x6400;
	s16 =	simm.s32 $0xC800  }
0x4: {  	s17 =	simm.s32 $0x12C00;
	s18 =	simm.s32 $0x19000;
	s19 =	simm.s32 $0x1  }
0x5: {  	s20 =	simm.s32 $0x2;
	s21 =	simm.s32 $0x3;
	s0 =	sand.u32 $0x1, s0  }
0x6: {  	s22 =	simm.s32 $0x4;
	s2 =	sshll.u32 s2, $0x6;
	s3 =	sshll.u32 s0, $0x5  }
0x7: {  	s23 =	simm.s32 $0x5;
	s24 =	simm.s32 $0x6;
	s5 =	sor.u32 s3, s2  }
0x8: {  	s25 =	simm.s32 $0x7;
	s26 =	simm.s32 $0x8;
	s2 =	smul.u32 $0x6400, s5  }
0x9: {  	s28 =	simm.s32 $0x0;
	s0 =	ssub.s32 $0x2, s0;
	s3 =	smul.u32 $0xC80, s5  }
.Ltmp0:
0xa: {  	[smem:$0x7FF] =	sst s6;
	s8 =	sshrl.u32 s0, $0x1;
	(pc) =	sbr.rel .LBB2_1-.Ltmp0, $4  }
0xb: {  	_ =	strace $0x80000047;
	s0 =	ssub.s32 s0, s8;
	s11 =	sor.u32 $0x4, s5  }
0xc: {  	s12 =	sor.u32 $0x5, s5;
	s2 =	sshrl.u32 s2, $0x3;
	s7 =	sadd.s32 s1, s3  }
0xd: {  	s13 =	smax.u32 s0, $0x1;
	s2 =	sadd.s32 s1, s2;
	s3 =	sadd.s32 $0xC80, s7  }
0xe: {  	[dreg:$0x4] =	wrdreg s3;
	s9 =	sadd.s32 $0x1900, s2;
	s10 =	sadd.s32 $0x2580, s2  }
.LBB2_12:
0xf: {  	_ =	swait.ge [sflag:s23], $0x6400  }
0x10: {  	[sflag:s23] =	ssyncset.done $0x0  }
0x11: {  	[sflag:s23] =	ssyncadd.s32 $0xFFFF9C00  }
0x12: {  	_ =	swait.ge [sflag:s24], $0x6400  }
0x13: {  	[sflag:s24] =	ssyncset.done $0x0  }
0x14: {  	s28 =	sadd.s32 $0x1, s28;
	[sflag:s24] =	ssyncadd.s32 $0xFFFF9C00  }
0x15: {  	p0 =	sne.s32 s28, s13;
	_ =	swait.ge [sflag:s25], $0x6400  }
.Ltmp1:
0x16: {  	[sflag:s25] =	ssyncset.done $0x0;
	(pc) =	sbr.rel @!p0 .LBB2_13-.Ltmp1, $4  }
0x17: {  	[sflag:s25] =	ssyncadd.s32 $0xFFFF9C00  }
0x18: {  	_ =	swait.ge [sflag:s26], $0x6400  }
0x19: {  	[sflag:s26] =	ssyncset.done $0x0  }
0x1a: {  	[sflag:s26] =	ssyncadd.s32 $0xFFFF9C00  }
.LBB2_1:
0x1b: {  	s0 =	rddreg [dreg:$0x1]  }
0x1c: {  	[tilespmem:s6], [sflag:$0x9] =	stream.linear.gather [hbm4b:s0+s6], $0x6400, $0x38;
	[tilespmem:$0x1F400] =	vst v63  }
0x1d: {  	_ =	swait.ge [sflag:s14], $0x6400  }
0x1e: {  	[sflag:s14] =	ssyncset.done $0x0  }
0x1f: {  	[sflag:s14] =	ssyncadd.s32 $0xFFFF9C00  }
0x20: {  	[tilespmem:s15], [sflag:$0x1] =	stream.linear.gather [hbm4b:s7+s6], $0x6400, $0x38;
	[tilespmem:$0x1F400] =	vst v63  }
0x21: {  	s31 =	rddreg [dreg:$0x4]  }
0x22: {  	[tilespmem:s16], [sflag:$0x2] =	stream.linear.gather [hbm4b:s31+s6], $0x6400, $0x38;
	[tilespmem:$0x1F400] =	vst v63  }
0x23: {  	_ = 	snop  }
0x24: {  	[tilespmem:s17], [sflag:$0x3] =	stream.linear.gather [hbm4b:s9+s6], $0x6400, $0x38;
	[tilespmem:$0x1F400] =	vst v63  }
0x25: {  	s29 =	simm.s32 $0x0  }
0x26: {  	[tilespmem:s18], [sflag:$0x4] =	stream.linear.gather [hbm4b:s10+s6], $0x6400, $0x38;
	[tilespmem:$0x1F400] =	vst v63  }
.LBB2_2:
0x27: {  	_ =	swait.ge [sflag:s19], $0x6400  }
0x28: {  	[sflag:s19] =	ssyncset.done $0x0  }
0x29: {  	s2 =	simm.s32 $0x0;
	[sflag:s19] =	ssyncadd.s32 $0xFFFF9C00  }
0x2a: {  	v0 =	vld [tilespmem:s2+$0xF0]  }
0x2b: {  	v1 =	vld [tilespmem:s2+$0x0]  }
0x2c: {  	v2 =	vld [tilespmem:s2+$0x10]  }
0x2d: {  	v3 =	vld [tilespmem:s2+$0x20]  }
0x2e: {  	v4 =	vld [tilespmem:s2+$0x30]  }
0x2f: {  	v5 =	vld [tilespmem:s2+$0x40]  }
0x30: {  	v6 =	vld [tilespmem:s2+$0x50]  }
0x31: {  	v7 =	vld [tilespmem:s2+$0x60]  }
0x32: {  	v8 =	vld [tilespmem:s2+$0x70]  }
0x33: {  	v9 =	vld [tilespmem:s2+$0x80]  }
0x34: {  	v10 =	vld [tilespmem:s2+$0x90]  }
0x35: {  	v11 =	vld [tilespmem:s2+$0xA0]  }
0x36: {  	v12 =	vld [tilespmem:s2+$0xB0]  }
0x37: {  	v13 =	vld [tilespmem:s2+$0xC0]  }
0x38: {  	v14 =	vld [tilespmem:s2+$0xD0]  }
0x39: {  	[tilespmem:s2+$0x64F0] =	vst.add.f32.msk $0xffff, v0  }
0x3a: {  	v0 =	vld [tilespmem:s2+$0xE0]  }
0x3b: {  	[tilespmem:s2+$0x6400] =	vst.add.f32.msk $0xffff, v1  }
0x3c: {  	[tilespmem:s2+$0x6410] =	vst.add.f32.msk $0xffff, v2  }
0x3d: {  	[tilespmem:s2+$0x6420] =	vst.add.f32.msk $0xffff, v3  }
0x3e: {  	[tilespmem:s2+$0x6430] =	vst.add.f32.msk $0xffff, v4  }
0x3f: {  	[tilespmem:s2+$0x6440] =	vst.add.f32.msk $0xffff, v5  }
0x40: {  	[tilespmem:s2+$0x6450] =	vst.add.f32.msk $0xffff, v6  }
0x41: {  	[tilespmem:s2+$0x6460] =	vst.add.f32.msk $0xffff, v7  }
0x42: {  	[tilespmem:s2+$0x6470] =	vst.add.f32.msk $0xffff, v8  }
0x43: {  	[tilespmem:s2+$0x6480] =	vst.add.f32.msk $0xffff, v9  }
0x44: {  	[tilespmem:s2+$0x6490] =	vst.add.f32.msk $0xffff, v10  }
0x45: {  	[tilespmem:s2+$0x64A0] =	vst.add.f32.msk $0xffff, v11  }
0x46: {  	[tilespmem:s2+$0x64B0] =	vst.add.f32.msk $0xffff, v12  }
0x47: {  	[tilespmem:s2+$0x64C0] =	vst.add.f32.msk $0xffff, v13  }
0x48: {  	s0 =	simm.s32 $0x0;
	s3 =	simm.s32 $0x400;
	[tilespmem:s2+$0x64D0] =	vst.add.f32.msk $0xffff, v14  }
.LBB2_3:
0x49: {  	s0 =	sadd.s32 $0x2, s0;
	[tilespmem:s2+$0x64E0] =	vst.add.f32.msk $0xffff, v0;
	s2 =	sshra.s32 s3, $0x2  }
0x4a: {  	v0 =	vld [tilespmem:s2+$0xF0];
	p0 =	slt.u32 s0, $0xC6  }
0x4b: {  	v1 =	vld [tilespmem:s2+$0x0]  }
0x4c: {  	v2 =	vld [tilespmem:s2+$0x10]  }
0x4d: {  	v3 =	vld [tilespmem:s2+$0x20]  }
0x4e: {  	v4 =	vld [tilespmem:s2+$0x30]  }
0x4f: {  	[tilespmem:s2+$0x64F0] =	vst.add.f32.msk $0xffff, v0  }
0x50: {  	v5 =	vld [tilespmem:s2+$0x40]  }
0x51: {  	v6 =	vld [tilespmem:s2+$0x50]  }
0x52: {  	v7 =	vld [tilespmem:s2+$0x60]  }
0x53: {  	v8 =	vld [tilespmem:s2+$0x70]  }
0x54: {  	v9 =	vld [tilespmem:s2+$0x80]  }
0x55: {  	v10 =	vld [tilespmem:s2+$0x90]  }
0x56: {  	v11 =	vld [tilespmem:s2+$0xA0]  }
0x57: {  	v12 =	vld [tilespmem:s2+$0xB0]  }
0x58: {  	v13 =	vld [tilespmem:s2+$0xC0]  }
0x59: {  	v14 =	vld [tilespmem:s2+$0xD0]  }
0x5a: {  	v0 =	vld [tilespmem:s2+$0xE0]  }
0x5b: {  	[tilespmem:s2+$0x6400] =	vst.add.f32.msk $0xffff, v1  }
0x5c: {  	[tilespmem:s2+$0x6410] =	vst.add.f32.msk $0xffff, v2  }
0x5d: {  	[tilespmem:s2+$0x6420] =	vst.add.f32.msk $0xffff, v3  }
0x5e: {  	[tilespmem:s2+$0x6430] =	vst.add.f32.msk $0xffff, v4  }
0x5f: {  	[tilespmem:s2+$0x6440] =	vst.add.f32.msk $0xffff, v5  }
0x60: {  	[tilespmem:s2+$0x6450] =	vst.add.f32.msk $0xffff, v6  }
0x61: {  	[tilespmem:s2+$0x6460] =	vst.add.f32.msk $0xffff, v7  }
0x62: {  	[tilespmem:s2+$0x6470] =	vst.add.f32.msk $0xffff, v8  }
0x63: {  	[tilespmem:s2+$0x6480] =	vst.add.f32.msk $0xffff, v9  }
.Ltmp2:
0x64: {  	[tilespmem:s2+$0x6490] =	vst.add.f32.msk $0xffff, v10;
	(pc) =	sbr.rel @p0 .LBB2_3-.Ltmp2, $4  }
0x65: {  	[tilespmem:s2+$0x64A0] =	vst.add.f32.msk $0xffff, v11  }
0x66: {  	[tilespmem:s2+$0x64B0] =	vst.add.f32.msk $0xffff, v12  }
0x67: {  	[tilespmem:s2+$0x64C0] =	vst.add.f32.msk $0xffff, v13  }
0x68: {  	s3 =	sadd.s32 $0x400, s3;
	[tilespmem:s2+$0x64D0] =	vst.add.f32.msk $0xffff, v14  }
0x69: {  	s30 =	sshll.u32 s29, $0x2  }
0x6a: {  	s0 =	sadd.s32 s5, s30  }
0x6b: {  	s0 =	smul.u32 $0xC80, s0  }
0x6c: {  	s8 =	sadd.s32 $0xFFFFFFFC, s30  }
0x6d: {  	[tilespmem:s2+$0x64E0] =	vst.add.f32.msk $0xffff, v0;
	s31 =	sor.u32 $0x2, s30;
	p0 =	sgt.u32 s8, $0x1B;
	s0 =	sadd.s32 s4, s0  }
0x6e: {  	[hbm4b:s0+s6] =	stream.linear.scatter [tilespmem:s15], [sflag:$0x5], $0x6400, $0x38;
	[tilespmem:$0x1F400] =	vst v63  }
0x6f: {  	s2 =	sor.u32 @!p0 s5, s31;
	s0 =	simm.s32 @!p0 $0x7  }
0x70: {  	s2 =	smul.u32 @!p0 $0xC80, s2;
	_ =	swait.ge @!p0 [sflag:s0], $0x6400  }
0x71: {  	s3 =	simm.s32 @!p0 $0x12C00;
	[sflag:s0] =	ssyncset.done @!p0 $0x0  }
0x72: {  	[sflag:s0] =	ssyncadd.s32 @!p0 $0xFFFF9C00;
	s0 =	sadd.s32 @!p0 s1, s2;
	s2 =	simm.s32 @!p0 $0x0  }
0x73: {  	[tilespmem:s3], [sflag:$0x3] =	stream.linear.gather @!p0 [hbm4b:s0+s2], $0x6400, $0x38;
	[tilespmem:$0x1F400] =	vst v63  }
0x74: {  	_ =	swait.ge [sflag:s20], $0x6400  }
0x75: {  	[sflag:s20] =	ssyncset.done $0x0  }
0x76: {  	s2 =	simm.s32 $0x0;
	[sflag:s20] =	ssyncadd.s32 $0xFFFF9C00  }
0x77: {  	v0 =	vld [tilespmem:s2+$0xF0]  }
0x78: {  	v1 =	vld [tilespmem:s2+$0x0]  }
0x79: {  	v2 =	vld [tilespmem:s2+$0x10]  }
0x7a: {  	v3 =	vld [tilespmem:s2+$0x20]  }
0x7b: {  	v4 =	vld [tilespmem:s2+$0x30]  }
0x7c: {  	v5 =	vld [tilespmem:s2+$0x40]  }
0x7d: {  	v6 =	vld [tilespmem:s2+$0x50]  }
0x7e: {  	v7 =	vld [tilespmem:s2+$0x60]  }
0x7f: {  	v8 =	vld [tilespmem:s2+$0x70]  }
0x80: {  	v9 =	vld [tilespmem:s2+$0x80]  }
0x81: {  	v10 =	vld [tilespmem:s2+$0x90]  }
0x82: {  	v11 =	vld [tilespmem:s2+$0xA0]  }
0x83: {  	v12 =	vld [tilespmem:s2+$0xB0]  }
0x84: {  	v13 =	vld [tilespmem:s2+$0xC0]  }
0x85: {  	v14 =	vld [tilespmem:s2+$0xD0]  }
0x86: {  	[tilespmem:s2+$0xC8F0] =	vst.add.f32.msk $0xffff, v0  }
0x87: {  	v0 =	vld [tilespmem:s2+$0xE0]  }
0x88: {  	[tilespmem:s2+$0xC800] =	vst.add.f32.msk $0xffff, v1  }
0x89: {  	[tilespmem:s2+$0xC810] =	vst.add.f32.msk $0xffff, v2  }
0x8a: {  	[tilespmem:s2+$0xC820] =	vst.add.f32.msk $0xffff, v3  }
0x8b: {  	[tilespmem:s2+$0xC830] =	vst.add.f32.msk $0xffff, v4  }
0x8c: {  	[tilespmem:s2+$0xC840] =	vst.add.f32.msk $0xffff, v5  }
0x8d: {  	[tilespmem:s2+$0xC850] =	vst.add.f32.msk $0xffff, v6  }
0x8e: {  	[tilespmem:s2+$0xC860] =	vst.add.f32.msk $0xffff, v7  }
0x8f: {  	[tilespmem:s2+$0xC870] =	vst.add.f32.msk $0xffff, v8  }
0x90: {  	[tilespmem:s2+$0xC880] =	vst.add.f32.msk $0xffff, v9  }
0x91: {  	[tilespmem:s2+$0xC890] =	vst.add.f32.msk $0xffff, v10  }
0x92: {  	[tilespmem:s2+$0xC8A0] =	vst.add.f32.msk $0xffff, v11  }
0x93: {  	[tilespmem:s2+$0xC8B0] =	vst.add.f32.msk $0xffff, v12  }
0x94: {  	[tilespmem:s2+$0xC8C0] =	vst.add.f32.msk $0xffff, v13  }
0x95: {  	s0 =	simm.s32 $0x0;
	s3 =	simm.s32 $0x400;
	[tilespmem:s2+$0xC8D0] =	vst.add.f32.msk $0xffff, v14  }
.LBB2_5:
0x96: {  	s0 =	sadd.s32 $0x2, s0;
	[tilespmem:s2+$0xC8E0] =	vst.add.f32.msk $0xffff, v0;
	s2 =	sshra.s32 s3, $0x2  }
0x97: {  	v0 =	vld [tilespmem:s2+$0xF0];
	p0 =	slt.u32 s0, $0xC6  }
0x98: {  	v1 =	vld [tilespmem:s2+$0x0]  }
0x99: {  	v2 =	vld [tilespmem:s2+$0x10]  }
0x9a: {  	v3 =	vld [tilespmem:s2+$0x20]  }
0x9b: {  	v4 =	vld [tilespmem:s2+$0x30]  }
0x9c: {  	[tilespmem:s2+$0xC8F0] =	vst.add.f32.msk $0xffff, v0  }
0x9d: {  	v5 =	vld [tilespmem:s2+$0x40]  }
0x9e: {  	v6 =	vld [tilespmem:s2+$0x50]  }
0x9f: {  	v7 =	vld [tilespmem:s2+$0x60]  }
0xa0: {  	v8 =	vld [tilespmem:s2+$0x70]  }
0xa1: {  	v9 =	vld [tilespmem:s2+$0x80]  }
0xa2: {  	v10 =	vld [tilespmem:s2+$0x90]  }
0xa3: {  	v11 =	vld [tilespmem:s2+$0xA0]  }
0xa4: {  	v12 =	vld [tilespmem:s2+$0xB0]  }
0xa5: {  	v13 =	vld [tilespmem:s2+$0xC0]  }
0xa6: {  	v14 =	vld [tilespmem:s2+$0xD0]  }
0xa7: {  	v0 =	vld [tilespmem:s2+$0xE0]  }
0xa8: {  	[tilespmem:s2+$0xC800] =	vst.add.f32.msk $0xffff, v1  }
0xa9: {  	[tilespmem:s2+$0xC810] =	vst.add.f32.msk $0xffff, v2  }
0xaa: {  	[tilespmem:s2+$0xC820] =	vst.add.f32.msk $0xffff, v3  }
0xab: {  	[tilespmem:s2+$0xC830] =	vst.add.f32.msk $0xffff, v4  }
0xac: {  	[tilespmem:s2+$0xC840] =	vst.add.f32.msk $0xffff, v5  }
0xad: {  	[tilespmem:s2+$0xC850] =	vst.add.f32.msk $0xffff, v6  }
0xae: {  	[tilespmem:s2+$0xC860] =	vst.add.f32.msk $0xffff, v7  }
0xaf: {  	[tilespmem:s2+$0xC870] =	vst.add.f32.msk $0xffff, v8  }
0xb0: {  	[tilespmem:s2+$0xC880] =	vst.add.f32.msk $0xffff, v9  }
.Ltmp3:
0xb1: {  	[tilespmem:s2+$0xC890] =	vst.add.f32.msk $0xffff, v10;
	(pc) =	sbr.rel @p0 .LBB2_5-.Ltmp3, $4  }
0xb2: {  	[tilespmem:s2+$0xC8A0] =	vst.add.f32.msk $0xffff, v11  }
0xb3: {  	[tilespmem:s2+$0xC8B0] =	vst.add.f32.msk $0xffff, v12  }
0xb4: {  	[tilespmem:s2+$0xC8C0] =	vst.add.f32.msk $0xffff, v13  }
0xb5: {  	s3 =	sadd.s32 $0x400, s3;
	[tilespmem:s2+$0xC8D0] =	vst.add.f32.msk $0xffff, v14  }
0xb6: {  	s0 =	sadd.s32 s30, s5  }
0xb7: {  	s0 =	smul.u32 $0xC80, s0;
	_ =	sdelay $0x1  }
0xb8: {  	s0 =	sadd.s32 s4, s0  }
0xb9: {  	[tilespmem:s2+$0xC8E0] =	vst.add.f32.msk $0xffff, v0;
	p0 =	seq.s32 s29, $0x0;
	s2 =	sor.u32 $0x3, s30;
	s0 =	sadd.s32 $0xC80, s0  }
0xba: {  	[hbm4b:s0+s6] =	stream.linear.scatter [tilespmem:s16], [sflag:$0x6], $0x6400, $0x38;
	[tilespmem:$0x1F400] =	vst v63  }
0xbb: {  	s3 =	sadd.s32 @!p0 s5, s2;
	s0 =	simm.s32 @!p0 $0x8  }
0xbc: {  	s3 =	smul.u32 @!p0 $0xC80, s3;
	_ =	swait.ge @!p0 [sflag:s0], $0x6400  }
0xbd: {  	s8 =	simm.s32 @!p0 $0x19000;
	[sflag:s0] =	ssyncset.done @!p0 $0x0  }
0xbe: {  	[sflag:s0] =	ssyncadd.s32 @!p0 $0xFFFF9C00;
	s0 =	sadd.s32 @!p0 s1, s3;
	s3 =	simm.s32 @!p0 $0x0  }
0xbf: {  	[tilespmem:s8], [sflag:$0x4] =	stream.linear.gather @!p0 [hbm4b:s0+s3], $0x6400, $0x38;
	[tilespmem:$0x1F400] =	vst v63  }
0xc0: {  	_ =	swait.ge [sflag:s21], $0x6400  }
0xc1: {  	[sflag:s21] =	ssyncset.done $0x0  }
0xc2: {  	s0 =	simm.s32 $0x0;
	[sflag:s21] =	ssyncadd.s32 $0xFFFF9C00  }
0xc3: {  	v0 =	vld [tilespmem:s0+$0xF0]  }
0xc4: {  	v1 =	vld [tilespmem:s0+$0x0]  }
0xc5: {  	v2 =	vld [tilespmem:s0+$0x10]  }
0xc6: {  	v3 =	vld [tilespmem:s0+$0x20]  }
0xc7: {  	v4 =	vld [tilespmem:s0+$0x30]  }
0xc8: {  	v5 =	vld [tilespmem:s0+$0x40]  }
0xc9: {  	v6 =	vld [tilespmem:s0+$0x50]  }
0xca: {  	v7 =	vld [tilespmem:s0+$0x60]  }
0xcb: {  	v8 =	vld [tilespmem:s0+$0x70]  }
0xcc: {  	v9 =	vld [tilespmem:s0+$0x80]  }
0xcd: {  	v10 =	vld [tilespmem:s0+$0x90]  }
0xce: {  	v11 =	vld [tilespmem:s0+$0xA0]  }
0xcf: {  	v12 =	vld [tilespmem:s0+$0xB0]  }
0xd0: {  	v13 =	vld [tilespmem:s0+$0xC0]  }
0xd1: {  	v14 =	vld [tilespmem:s0+$0xD0]  }
0xd2: {  	[tilespmem:s0+$0x12CF0] =	vst.add.f32.msk $0xffff, v0  }
0xd3: {  	v0 =	vld [tilespmem:s0+$0xE0]  }
0xd4: {  	[tilespmem:s0+$0x12C00] =	vst.add.f32.msk $0xffff, v1  }
0xd5: {  	[tilespmem:s0+$0x12C10] =	vst.add.f32.msk $0xffff, v2  }
0xd6: {  	[tilespmem:s0+$0x12C20] =	vst.add.f32.msk $0xffff, v3  }
0xd7: {  	[tilespmem:s0+$0x12C30] =	vst.add.f32.msk $0xffff, v4  }
0xd8: {  	[tilespmem:s0+$0x12C40] =	vst.add.f32.msk $0xffff, v5  }
0xd9: {  	[tilespmem:s0+$0x12C50] =	vst.add.f32.msk $0xffff, v6  }
0xda: {  	[tilespmem:s0+$0x12C60] =	vst.add.f32.msk $0xffff, v7  }
0xdb: {  	[tilespmem:s0+$0x12C70] =	vst.add.f32.msk $0xffff, v8  }
0xdc: {  	[tilespmem:s0+$0x12C80] =	vst.add.f32.msk $0xffff, v9  }
0xdd: {  	[tilespmem:s0+$0x12C90] =	vst.add.f32.msk $0xffff, v10  }
0xde: {  	[tilespmem:s0+$0x12CA0] =	vst.add.f32.msk $0xffff, v11  }
0xdf: {  	[tilespmem:s0+$0x12CB0] =	vst.add.f32.msk $0xffff, v12  }
0xe0: {  	[tilespmem:s0+$0x12CC0] =	vst.add.f32.msk $0xffff, v13  }
0xe1: {  	s3 =	simm.s32 $0x0;
	s8 =	simm.s32 $0x400;
	[tilespmem:s0+$0x12CD0] =	vst.add.f32.msk $0xffff, v14  }
.LBB2_7:
0xe2: {  	s3 =	sadd.s32 $0x2, s3;
	[tilespmem:s0+$0x12CE0] =	vst.add.f32.msk $0xffff, v0;
	s0 =	sshra.s32 s8, $0x2  }
0xe3: {  	v0 =	vld [tilespmem:s0+$0xF0];
	p0 =	slt.u32 s3, $0xC6  }
0xe4: {  	v1 =	vld [tilespmem:s0+$0x0]  }
0xe5: {  	v2 =	vld [tilespmem:s0+$0x10]  }
0xe6: {  	v3 =	vld [tilespmem:s0+$0x20]  }
0xe7: {  	v4 =	vld [tilespmem:s0+$0x30]  }
0xe8: {  	[tilespmem:s0+$0x12CF0] =	vst.add.f32.msk $0xffff, v0  }
0xe9: {  	v5 =	vld [tilespmem:s0+$0x40]  }
0xea: {  	v6 =	vld [tilespmem:s0+$0x50]  }
0xeb: {  	v7 =	vld [tilespmem:s0+$0x60]  }
0xec: {  	v8 =	vld [tilespmem:s0+$0x70]  }
0xed: {  	v9 =	vld [tilespmem:s0+$0x80]  }
0xee: {  	v10 =	vld [tilespmem:s0+$0x90]  }
0xef: {  	v11 =	vld [tilespmem:s0+$0xA0]  }
0xf0: {  	v12 =	vld [tilespmem:s0+$0xB0]  }
0xf1: {  	v13 =	vld [tilespmem:s0+$0xC0]  }
0xf2: {  	v14 =	vld [tilespmem:s0+$0xD0]  }
0xf3: {  	v0 =	vld [tilespmem:s0+$0xE0]  }
0xf4: {  	[tilespmem:s0+$0x12C00] =	vst.add.f32.msk $0xffff, v1  }
0xf5: {  	[tilespmem:s0+$0x12C10] =	vst.add.f32.msk $0xffff, v2  }
0xf6: {  	[tilespmem:s0+$0x12C20] =	vst.add.f32.msk $0xffff, v3  }
0xf7: {  	[tilespmem:s0+$0x12C30] =	vst.add.f32.msk $0xffff, v4  }
0xf8: {  	[tilespmem:s0+$0x12C40] =	vst.add.f32.msk $0xffff, v5  }
0xf9: {  	[tilespmem:s0+$0x12C50] =	vst.add.f32.msk $0xffff, v6  }
0xfa: {  	[tilespmem:s0+$0x12C60] =	vst.add.f32.msk $0xffff, v7  }
0xfb: {  	[tilespmem:s0+$0x12C70] =	vst.add.f32.msk $0xffff, v8  }
0xfc: {  	[tilespmem:s0+$0x12C80] =	vst.add.f32.msk $0xffff, v9  }
.Ltmp4:
0xfd: {  	[tilespmem:s0+$0x12C90] =	vst.add.f32.msk $0xffff, v10;
	(pc) =	sbr.rel @p0 .LBB2_7-.Ltmp4, $4  }
0xfe: {  	[tilespmem:s0+$0x12CA0] =	vst.add.f32.msk $0xffff, v11  }
0xff: {  	[tilespmem:s0+$0x12CB0] =	vst.add.f32.msk $0xffff, v12  }
0x100: {  	[tilespmem:s0+$0x12CC0] =	vst.add.f32.msk $0xffff, v13  }
0x101: {  	s8 =	sadd.s32 $0x400, s8;
	[tilespmem:s0+$0x12CD0] =	vst.add.f32.msk $0xffff, v14  }
0x102: {  	s3 =	sadd.s32 s5, s31  }
0x103: {  	s3 =	smul.u32 $0xC80, s3  }
0x104: {  	p0 =	seq.s32 s29, $0x7  }
0x105: {  	[tilespmem:s0+$0x12CE0] =	vst.add.f32.msk $0xffff, v0;
	s0 =	simm.s32 @!p0 $0x5;
	s31 =	sadd.s32 s4, s3;
	s3 =	sadd.s32 @!p0 s30, s11  }
0x106: {  	[hbm4b:s31+s6] =	stream.linear.scatter [tilespmem:s17], [sflag:$0x7], $0x6400, $0x38;
	[tilespmem:$0x1F400] =	vst v63  }
0x107: {  	s3 =	smul.u32 @!p0 $0xC80, s3;
	_ =	swait.ge @!p0 [sflag:s0], $0x6400  }
0x108: {  	s8 =	simm.s32 @!p0 $0x6400;
	[sflag:s0] =	ssyncset.done @!p0 $0x0  }
0x109: {  	[sflag:s0] =	ssyncadd.s32 @!p0 $0xFFFF9C00;
	s0 =	sadd.s32 @!p0 s1, s3;
	s3 =	simm.s32 @!p0 $0x0  }
0x10a: {  	[tilespmem:s8], [sflag:$0x1] =	stream.linear.gather @!p0 [hbm4b:s0+s3], $0x6400, $0x38;
	[tilespmem:$0x1F400] =	vst v63  }
0x10b: {  	_ =	swait.ge [sflag:s22], $0x6400  }
0x10c: {  	[sflag:s22] =	ssyncset.done $0x0  }
0x10d: {  	s0 =	simm.s32 $0x0;
	[sflag:s22] =	ssyncadd.s32 $0xFFFF9C00  }
0x10e: {  	v0 =	vld [tilespmem:s0+$0xF0]  }
0x10f: {  	v1 =	vld [tilespmem:s0+$0x0]  }
0x110: {  	v2 =	vld [tilespmem:s0+$0x10]  }
0x111: {  	v3 =	vld [tilespmem:s0+$0x20]  }
0x112: {  	v4 =	vld [tilespmem:s0+$0x30]  }
0x113: {  	v5 =	vld [tilespmem:s0+$0x40]  }
0x114: {  	v6 =	vld [tilespmem:s0+$0x50]  }
0x115: {  	v7 =	vld [tilespmem:s0+$0x60]  }
0x116: {  	v8 =	vld [tilespmem:s0+$0x70]  }
0x117: {  	v9 =	vld [tilespmem:s0+$0x80]  }
0x118: {  	v10 =	vld [tilespmem:s0+$0x90]  }
0x119: {  	v11 =	vld [tilespmem:s0+$0xA0]  }
0x11a: {  	v12 =	vld [tilespmem:s0+$0xB0]  }
0x11b: {  	v13 =	vld [tilespmem:s0+$0xC0]  }
0x11c: {  	v14 =	vld [tilespmem:s0+$0xD0]  }
0x11d: {  	[tilespmem:s0+$0x190F0] =	vst.add.f32.msk $0xffff, v0  }
0x11e: {  	v0 =	vld [tilespmem:s0+$0xE0]  }
0x11f: {  	[tilespmem:s0+$0x19000] =	vst.add.f32.msk $0xffff, v1  }
0x120: {  	[tilespmem:s0+$0x19010] =	vst.add.f32.msk $0xffff, v2  }
0x121: {  	[tilespmem:s0+$0x19020] =	vst.add.f32.msk $0xffff, v3  }
0x122: {  	[tilespmem:s0+$0x19030] =	vst.add.f32.msk $0xffff, v4  }
0x123: {  	[tilespmem:s0+$0x19040] =	vst.add.f32.msk $0xffff, v5  }
0x124: {  	[tilespmem:s0+$0x19050] =	vst.add.f32.msk $0xffff, v6  }
0x125: {  	[tilespmem:s0+$0x19060] =	vst.add.f32.msk $0xffff, v7  }
0x126: {  	[tilespmem:s0+$0x19070] =	vst.add.f32.msk $0xffff, v8  }
0x127: {  	[tilespmem:s0+$0x19080] =	vst.add.f32.msk $0xffff, v9  }
0x128: {  	[tilespmem:s0+$0x19090] =	vst.add.f32.msk $0xffff, v10  }
0x129: {  	[tilespmem:s0+$0x190A0] =	vst.add.f32.msk $0xffff, v11  }
0x12a: {  	[tilespmem:s0+$0x190B0] =	vst.add.f32.msk $0xffff, v12  }
0x12b: {  	[tilespmem:s0+$0x190C0] =	vst.add.f32.msk $0xffff, v13  }
0x12c: {  	s3 =	simm.s32 $0x0;
	s8 =	simm.s32 $0x400;
	[tilespmem:s0+$0x190D0] =	vst.add.f32.msk $0xffff, v14  }
.LBB2_9:
0x12d: {  	s3 =	sadd.s32 $0x2, s3;
	[tilespmem:s0+$0x190E0] =	vst.add.f32.msk $0xffff, v0;
	s0 =	sshra.s32 s8, $0x2  }
0x12e: {  	v0 =	vld [tilespmem:s0+$0xF0];
	p1 =	slt.u32 s3, $0xC6  }
0x12f: {  	v1 =	vld [tilespmem:s0+$0x0]  }
0x130: {  	v2 =	vld [tilespmem:s0+$0x10]  }
0x131: {  	v3 =	vld [tilespmem:s0+$0x20]  }
0x132: {  	v4 =	vld [tilespmem:s0+$0x30]  }
0x133: {  	[tilespmem:s0+$0x190F0] =	vst.add.f32.msk $0xffff, v0  }
0x134: {  	v5 =	vld [tilespmem:s0+$0x40]  }
0x135: {  	v6 =	vld [tilespmem:s0+$0x50]  }
0x136: {  	v7 =	vld [tilespmem:s0+$0x60]  }
0x137: {  	v8 =	vld [tilespmem:s0+$0x70]  }
0x138: {  	v9 =	vld [tilespmem:s0+$0x80]  }
0x139: {  	v10 =	vld [tilespmem:s0+$0x90]  }
0x13a: {  	v11 =	vld [tilespmem:s0+$0xA0]  }
0x13b: {  	v12 =	vld [tilespmem:s0+$0xB0]  }
0x13c: {  	v13 =	vld [tilespmem:s0+$0xC0]  }
0x13d: {  	v14 =	vld [tilespmem:s0+$0xD0]  }
0x13e: {  	v0 =	vld [tilespmem:s0+$0xE0]  }
0x13f: {  	[tilespmem:s0+$0x19000] =	vst.add.f32.msk $0xffff, v1  }
0x140: {  	[tilespmem:s0+$0x19010] =	vst.add.f32.msk $0xffff, v2  }
0x141: {  	[tilespmem:s0+$0x19020] =	vst.add.f32.msk $0xffff, v3  }
0x142: {  	[tilespmem:s0+$0x19030] =	vst.add.f32.msk $0xffff, v4  }
0x143: {  	[tilespmem:s0+$0x19040] =	vst.add.f32.msk $0xffff, v5  }
0x144: {  	[tilespmem:s0+$0x19050] =	vst.add.f32.msk $0xffff, v6  }
0x145: {  	[tilespmem:s0+$0x19060] =	vst.add.f32.msk $0xffff, v7  }
0x146: {  	[tilespmem:s0+$0x19070] =	vst.add.f32.msk $0xffff, v8  }
0x147: {  	[tilespmem:s0+$0x19080] =	vst.add.f32.msk $0xffff, v9  }
.Ltmp5:
0x148: {  	[tilespmem:s0+$0x19090] =	vst.add.f32.msk $0xffff, v10;
	(pc) =	sbr.rel @p1 .LBB2_9-.Ltmp5, $4  }
0x149: {  	[tilespmem:s0+$0x190A0] =	vst.add.f32.msk $0xffff, v11  }
0x14a: {  	[tilespmem:s0+$0x190B0] =	vst.add.f32.msk $0xffff, v12  }
0x14b: {  	[tilespmem:s0+$0x190C0] =	vst.add.f32.msk $0xffff, v13  }
0x14c: {  	s8 =	sadd.s32 $0x400, s8;
	[tilespmem:s0+$0x190D0] =	vst.add.f32.msk $0xffff, v14  }
.Ltmp6:
0x14d: {  	s2 =	sadd.s32 s5, s2;
	(pc) =	sbr.rel @p0 .LBB2_12-.Ltmp6, $3  }
0x14e: {  	s2 =	smul.u32 $0xC80, s2;
	_ =	sdelay $0x1  }
0x14f: {  	[tilespmem:s0+$0x190E0] =	vst.add.f32.msk $0xffff, v0;
	s31 =	sadd.s32 s4, s2  }
0x150: {  	[hbm4b:s31+s6] =	stream.linear.scatter [tilespmem:s18], [sflag:$0x8], $0x6400, $0x38;
	[tilespmem:$0x1F400] =	vst v63  }
.Ltmp7:
0x151: {  	s0 =	sadd.s32 s30, s12;
	(pc) =	sbr.rel .LBB2_2-.Ltmp7, $4  }
0x152: {  	_ =	swait.ge [sflag:s24], $0x6400;
	s0 =	smul.u32 $0xC80, s0  }
0x153: {  	[sflag:s24] =	ssyncset.done $0x0  }
0x154: {  	s29 =	sadd.s32 $0x1, s29;
	[sflag:s24] =	ssyncadd.s32 $0xFFFF9C00;
	s0 =	sadd.s32 s1, s0  }
0x155: {  	[tilespmem:s16], [sflag:$0x2] =	stream.linear.gather [hbm4b:s0+s6], $0x6400, $0x38;
	[tilespmem:$0x1F400] =	vst v63  }
.LBB2_13:
0x156: {  	_ =	sfence.sel $0x180000  }
0x157: {  	[bflag:$0x0] =	sbarrier.arrive $0xFFFF  }
0x158: {  	_ =	strace $0x90000047  }
0x159: {  	s0 =	stileid.u32;
	[bflag:$0x2] =	sbarrier.arrive $0xFFFF  }
0x15a: {  	p0 =	sne.s32 s0, $0x0;
	s0 =	rddreg [dreg:$0x3]  }
0x15b: {  	s0 =	sadd.s32 @!p0 $0x100000, s0  }
0x15c: {  	[sflag:s0] =	ssyncadd.tile.s32 @!p0 $0x1;
	_ =	shalt  }
.Lfunc_end2:
_tile_overlayer_lowered:
.L_overlay_start_2:
0x15d: {  	(tag) =	ssettag $0x2  }
0x15e: {  	s0 =	rddreg [dreg:$0x0];
	s2 =	stileid.u32  }
0x15f: {  	s1 =	rddreg [dreg:$0x1];
	p0 =	sne.s32 s2, $0x0  }
0x160: {  	s3 =	rddreg [dreg:$0x2];
	[bflag:$0x3] =	sbarrier.arrive $0xFFFF;
	s2 =	simm.s32 @!p0 $0x1C09  }
0x161: {  	[timem:s3], [sflag:s2] =	dma.local @!p0 [hbm:s0], s1  }
0x162: {  	s0 =	simm.s32 @!p0 $0x9  }
0x163: {  	_ =	swait.ge @!p0 [sflag:s0], s1  }
0x164: {  	s1 =	ssub.s32 @!p0 $0x0, s1;
	[sflag:s0] =	ssyncset.done @!p0 $0x0  }
0x165: {  	[sflag:s0] =	ssyncadd.s32 @!p0 s1  }
0x166: {  	[bflag:$0x3] =	sbarrier.arrive $0xFFFF  }
0x167: {  	_ =	shalt  }

</sc_bundles>
